<compile_context>
chip_gen: v7x
topology: tpu7x:2x2x1
jax: 0.10.2.dev20260603
libtpu: 0.0.44.dev20260713+nightly
codegen_flags: <defaults>
</compile_context>

<pallas_src>
import functools

import jax
import jax.numpy as jnp
from jax import lax
from jax.experimental import pallas as pl
from jax.experimental.pallas import tpu as pltpu
from jax.experimental.pallas import tpu_sc as plsc

B, S, NC, NN, V, D = 1024, 20, 26, 13, 100000, 32
NF = NC + NN
EPS = 1e-12

NW = 32
NPAIR = S * NC
MAXK = (NPAIR + NW - 1) // NW


def _sc_gather(xq, tt):
  mesh = plsc.VectorSubcoreMesh(core_axis_name="c", subcore_axis_name="s")

  @functools.partial(
      pl.kernel,
      mesh=mesh,
      out_type=jax.ShapeDtypeStruct((S, NC, D, 8, 128), jnp.float32),
      compiler_params=pltpu.CompilerParams(use_tc_tiling_on_sc=False),
      scratch_types=[
          pltpu.VMEM((2, 8, 128), jnp.int32),
          pltpu.VMEM((2, D, 8, 128), jnp.float32),
          pltpu.SemaphoreType.DMA,
          pltpu.SemaphoreType.DMA,
      ],
  )
  def k(xq_hbm, tt_hbm, gt_hbm, idx_v, vals_v, sem, dsem):
    wid = lax.axis_index("s") * 2 + lax.axis_index("c")

    def pair(i, q):
      p = wid + NW * i
      idx_q = idx_v.at[q]
      vals_q = vals_v.at[q]

      @pl.when(p < NPAIR)
      def _():
        s = p // NC
        c = p - s * NC

        @pl.when(i >= 2)
        def _():
          pltpu.make_async_copy(vals_q, gt_hbm.at[0, 0], dsem).wait()

        pltpu.sync_copy(xq_hbm.at[c, s], idx_q)

        def dbody(d, carry):
          for j in range(8):
            pltpu.async_copy(
                tt_hbm.at[c, d].at[idx_q.at[j]], vals_q.at[d, j], sem)
          @pl.when(d >= 4)
          def _():
            pltpu.make_async_copy(gt_hbm.at[0, 0, 0], vals_q.at[d - 4], sem
                                  ).wait()
          return carry

        lax.fori_loop(0, D, dbody, None)
        for dd in (D - 4, D - 3, D - 2, D - 1):
          pltpu.make_async_copy(gt_hbm.at[0, 0, 0], vals_q.at[dd], sem).wait()
        pltpu.async_copy(vals_q, gt_hbm.at[s, c], dsem)

    def body(kk, carry):
      pair(2 * kk, 0)
      pair(2 * kk + 1, 1)
      return carry

    lax.fori_loop(0, (MAXK + 1) // 2, body, None)
    pltpu.make_async_copy(vals_v.at[0], gt_hbm.at[0, 0], dsem).wait()
    pltpu.make_async_copy(vals_v.at[1], gt_hbm.at[0, 0], dsem).wait()

  return k(xq, tt)


def _ln_body(gt_ref, xn_ref, nw_ref, w_ref, b_ref, out_ref):
  g = gt_ref[0]
  xnv = xn_ref[0]
  nw = nw_ref[...]
  xe = xnv[:, None, :] * nw[:, :, None]
  x = jnp.concatenate([g, xe], axis=0)
  u = jnp.mean(x, axis=1, keepdims=True)
  t = x - u
  s = jnp.mean(t * t, axis=1, keepdims=True)
  xh = t * lax.rsqrt(s + EPS)
  out_ref[0] = w_ref[...][None, :, :] * xh + b_ref[...][None, :, :]


def _tc_ln(gt4, xnT, nw, w2, b2):
  Bb = 512
  grid = (S, B // Bb)
  return pl.pallas_call(
      _ln_body,
      grid=grid,
      in_specs=[
          pl.BlockSpec((1, NC, D, Bb), lambda i, j: (i, 0, 0, j)),
          pl.BlockSpec((1, NN, Bb), lambda i, j: (i, 0, j)),
          pl.BlockSpec((NN, D), lambda i, j: (0, 0)),
          pl.BlockSpec((D, 1), lambda i, j: (0, 0)),
          pl.BlockSpec((D, 1), lambda i, j: (0, 0)),
      ],
      out_specs=pl.BlockSpec((1, NF, D, Bb), lambda i, j: (i, 0, 0, j)),
      out_shape=jax.ShapeDtypeStruct((S, NF, D, B), jnp.float32),
      compiler_params=pltpu.CompilerParams(
          dimension_semantics=("arbitrary", "arbitrary")),
  )(gt4, xnT, nw, w2, b2)


def kernel(xc, xn, cls_tables, num_weight, ln_weight, ln_bias):
  tt = jnp.transpose(cls_tables, (0, 2, 1))
  xq = jnp.transpose(xc, (2, 1, 0)).reshape(NC, S, 8, 128)
  gt = _sc_gather(xq, tt)
  gt4 = gt.reshape(S, NC, D, B)
  xnT = jnp.transpose(xn, (1, 2, 0))
  o = _tc_ln(gt4, xnT, num_weight,
             ln_weight.reshape(D, 1), ln_bias.reshape(D, 1))
  return jnp.transpose(o, (3, 0, 1, 2))

# --- scband reference (transcript-rebuilt; emitter-appended) ---
"""Pipeline reference for scband-feature-embedding-89069031785061 (READ-ONLY COPY).

The authoritative reference and input builder live on the scoring server;
editing this copy changes nothing except your own understanding.
"""

import jax, jax.numpy as jnp
import numpy as np

B, S, NC, NN, V, D = 1024, 20, 26, 13, 100000, 32
EPS = 1e-12


def setup_inputs(seed: int = 0) -> dict:
    key = jax.random.key(seed)
    k1, k2, k3, k4 = jax.random.split(key, 4)
    xc = jax.random.randint(k1, (B, S, NC), 0, V, dtype=jnp.int32)
    xn = jax.random.normal(k2, (B, S, NN), dtype=jnp.float32)
    # 26 categorical embedding tables, each [V, D], stacked
    cls_tables = jax.random.normal(k3, (NC, V, D), dtype=jnp.float32) * 0.02
    # numerical-feature embedding table [NN, D]
    num_weight = jax.random.normal(k4, (NN, D), dtype=jnp.float32) * 0.02
    ln_weight = jnp.ones((D,), dtype=jnp.float32)
    ln_bias = jnp.zeros((D,), dtype=jnp.float32)
    return {"xc": xc, "xn": xn, "cls_tables": cls_tables,
            "num_weight": num_weight, "ln_weight": ln_weight, "ln_bias": ln_bias}


def reference(xc, xn, cls_tables, num_weight, ln_weight, ln_bias):
    # per-field embedding gather: cls_tables[i][xc[:,:,i]] for each of NC fields
    field_idx = jnp.arange(NC)[None, None, :]  # [1,1,NC] broadcasts with xc [B,S,NC]
    xc_embed = cls_tables[field_idx, xc]  # [B, S, NC, D]
    # numerical features scale rows of num_encoder weight
    xn_e = xn[..., None] * num_weight  # [B,S,NN,1] * [NN,D] -> [B,S,NN,D]
    xnc = jnp.concatenate([xc_embed, xn_e], axis=2)  # [B, S, NC+NN, D]
    # dropout is identity in deterministic reference
    # BertLayerNorm over last dim
    u = jnp.mean(xnc, axis=-1, keepdims=True)
    s = jnp.mean((xnc - u) ** 2, axis=-1, keepdims=True)
    xh = (xnc - u) / jnp.sqrt(s + EPS)
    return ln_weight * xh + ln_bias

if __name__ == "__main__":
    import jax
    _d = setup_inputs()
    print(jax.jit(kernel)(*tuple(_d.values())))

</pallas_src>

<mosaic_0001>
#map = affine_map<(d0, d1) -> (0, 0, 0, 0)>
#map1 = affine_map<(d0, d1) -> (0, 0, 0)>
#map2 = affine_map<(d0, d1) -> (0, 0, 0, 0, 0)>
module attributes {stable_mosaic.version = 14 : i64} {
  func.func @k(%arg0: i32, %arg1: i32, %arg2: memref<26x20x8x128xi32, #tpu.memory_space<hbm>>, %arg3: memref<26x32x100000xf32, #tpu.memory_space<hbm>>, %arg4: memref<20x26x32x8x128xf32, #tpu.memory_space<hbm>>, %arg5: memref<2x8x128xi32, #tpu.memory_space<vmem>>, %arg6: memref<2x32x8x128xf32, #tpu.memory_space<vmem>>, %arg7: memref<!tpu.dma_semaphore, #tpu.memory_space<semaphore_mem>>, %arg8: memref<!tpu.dma_semaphore, #tpu.memory_space<semaphore_mem>>) attributes {dimension_semantics = [#tpu.dimension_semantics<core_parallel>, #tpu.dimension_semantics<subcore_parallel>], iteration_bounds = array<i64: 2, 16>, scalar_prefetch = 0 : i64, scratch_operands = 4 : i64, tpu.core_type = #tpu.core_type<sc_vector_subcore>, window_params = [{transform_indices = #map}, {transform_indices = #map1}, {transform_indices = #map2}]} {
    %mul3A = arith.constant 2 : i32
    %mul3A_0 = arith.muli %arg1, %mul3A : i32
    %add3A = arith.addi %mul3A_0, %arg0 : i32
    %scan3A = arith.constant 0 : i32
    %scan3A_1 = arith.constant 9 : i32
    %scan3A_2 = arith.addi %scan3A, %scan3A_1 : i32
    %scan3A_3 = arith.constant 1 : i32
    scf.for %scan3A_50 = %scan3A to %scan3A_2 step %scan3A_3  : i32 {
      %mul3A_51 = arith.constant 2 : i32
      %mul3A_52 = arith.muli %mul3A_51, %scan3A_50 : i32
      %mul3A_53 = arith.constant 32 : i32
      %mul3A_54 = arith.muli %mul3A_53, %mul3A_52 : i32
      %add3A_55 = arith.addi %add3A, %mul3A_54 : i32
      %lt3A = arith.constant 520 : i32
      %lt3A_56 = arith.cmpi slt, %add3A_55, %lt3A : i32
      %convert_element_type3A = arith.extui %lt3A_56 : i1 to i32
      %cond3A = arith.constant 0 : i32
      %cond3A_57 = arith.constant 0 : i32
      %cond3A_58 = arith.constant 0 : i32
      %cond3A_59 = arith.cmpi ne, %convert_element_type3A, %cond3A_58 : i32
      scf.if %cond3A_59 {
        %jit3A = arith.constant 26 : i32
        %div3A = arith.divsi %add3A_55, %jit3A : i32
        %sign3A = arith.constant 0 : i32
        %sign3A_74 = arith.cmpi sgt, %add3A_55, %sign3A : i32
        %sign3A_75 = arith.extui %sign3A_74 : i1 to i32
        %sign3A_76 = arith.constant 0 : i32
        %sign3A_77 = arith.cmpi slt, %add3A_55, %sign3A_76 : i32
        %sign3A_78 = arith.extui %sign3A_77 : i1 to i32
        %sign3A_79 = arith.subi %sign3A_75, %sign3A_78 : i32
        %sign3A_80 = arith.constant 0 : i32
        %sign3A_81 = arith.cmpi sgt, %jit3A, %sign3A_80 : i32
        %sign3A_82 = arith.extui %sign3A_81 : i1 to i32
        %sign3A_83 = arith.constant 0 : i32
        %sign3A_84 = arith.cmpi slt, %jit3A, %sign3A_83 : i32
        %sign3A_85 = arith.extui %sign3A_84 : i1 to i32
        %sign3A_86 = arith.subi %sign3A_82, %sign3A_85 : i32
        %ne3A = arith.cmpi ne, %sign3A_79, %sign3A_86 : i32
        %rem3A = arith.remsi %add3A_55, %jit3A : i32
        %ne3A_87 = arith.constant 0 : i32
        %ne3A_88 = arith.cmpi ne, %rem3A, %ne3A_87 : i32
        %and3A = arith.andi %ne3A, %ne3A_88 : i1
        %sub3A = arith.constant 1 : i32
        %sub3A_89 = arith.subi %div3A, %sub3A : i32
        %select_n3A = arith.select %and3A, %sub3A_89, %div3A : i32
        %mul3A_90 = arith.constant 26 : i32
        %mul3A_91 = arith.muli %select_n3A, %mul3A_90 : i32
        %sub3A_92 = arith.subi %add3A_55, %mul3A_91 : i32
        %ge3A = arith.constant 2 : i32
        %ge3A_93 = arith.cmpi sge, %mul3A_52, %ge3A : i32
        %convert_element_type3A_94 = arith.extui %ge3A_93 : i1 to i32
        %cond3A_95 = arith.constant 0 : i32
        %cond3A_96 = arith.cmpi ne, %convert_element_type3A_94, %cond3A_95 : i32
        scf.if %cond3A_96 {
          %dma_wait3A_241 = arith.constant 0 : i32
          %dma_wait3A_242 = arith.constant 0 : i32
          %dma_wait3A_243 = arith.constant 0 : i32
          %dma_wait3A_244 = arith.constant 0 : i32
          %dma_wait3A_245 = arith.constant 0 : i32
          %dma_wait3A_246 = tpu.memref_slice %arg6[%cond3A, %dma_wait3A_243, %dma_wait3A_244, %dma_wait3A_245] : memref<2x32x8x128xf32, #tpu.memory_space<vmem>> -> memref<1x32x8x128xf32, #tpu.memory_space<vmem>>
          %dma_wait3A_247 = tpu.memref_squeeze %dma_wait3A_246 : memref<1x32x8x128xf32, #tpu.memory_space<vmem>> -> memref<32x8x128xf32, #tpu.memory_space<vmem>>
          %dma_wait3A_248 = arith.constant 0 : i32
          %dma_wait3A_249 = arith.constant 0 : i32
          %dma_wait3A_250 = arith.constant 0 : i32
          %dma_wait3A_251 = tpu.memref_slice %arg4[%dma_wait3A_241, %dma_wait3A_242, %dma_wait3A_248, %dma_wait3A_249, %dma_wait3A_250] : memref<20x26x32x8x128xf32, #tpu.memory_space<hbm>> -> memref<1x1x32x8x128xf32, #tpu.memory_space<hbm>>
          %dma_wait3A_252 = tpu.memref_squeeze %dma_wait3A_251 : memref<1x1x32x8x128xf32, #tpu.memory_space<hbm>> -> memref<32x8x128xf32, #tpu.memory_space<hbm>>
          %dma_wait3A_253 = arith.constant 0 : i32
          %dma_wait3A_254 = arith.constant 0 : i32
          %dma_wait3A_255 = arith.constant 0 : i32
          %dma_wait3A_256 = tpu.memref_slice %arg4[%dma_wait3A_241, %dma_wait3A_242, %dma_wait3A_253, %dma_wait3A_254, %dma_wait3A_255] : memref<20x26x32x8x128xf32, #tpu.memory_space<hbm>> -> memref<1x1x32x8x128xf32, #tpu.memory_space<hbm>>
          %dma_wait3A_257 = tpu.memref_squeeze %dma_wait3A_256 : memref<1x1x32x8x128xf32, #tpu.memory_space<hbm>> -> memref<32x8x128xf32, #tpu.memory_space<hbm>>
          %dma_wait3A_258 = arith.constant 0 : i32
          %dma_wait3A_259 = arith.constant 0 : i32
          %dma_wait3A_260 = arith.constant 0 : i32
          %dma_wait3A_261 = tpu.memref_slice %arg6[%cond3A, %dma_wait3A_258, %dma_wait3A_259, %dma_wait3A_260] : memref<2x32x8x128xf32, #tpu.memory_space<vmem>> -> memref<1x32x8x128xf32, #tpu.memory_space<vmem>>
          %dma_wait3A_262 = tpu.memref_squeeze %dma_wait3A_261 : memref<1x32x8x128xf32, #tpu.memory_space<vmem>> -> memref<32x8x128xf32, #tpu.memory_space<vmem>>
          tpu.wait_dma2 semaphore(%arg8 : memref<!tpu.dma_semaphore, #tpu.memory_space<semaphore_mem>>) src(%dma_wait3A_262 : memref<32x8x128xf32, #tpu.memory_space<vmem>>) dst(%dma_wait3A_257 : memref<32x8x128xf32, #tpu.memory_space<hbm>>)
        } else {
        }
        "tpu.region"() ({
          %run_scoped3A = tpu.sem_alloc : memref<!tpu.dma_semaphore, #tpu.memory_space<semaphore_mem>>
          %dma_start3A_241 = arith.constant 0 : i32
          %dma_start3A_242 = arith.constant 0 : i32
          %dma_start3A_243 = tpu.memref_slice %arg5[%cond3A_57, %dma_start3A_241, %dma_start3A_242] : memref<2x8x128xi32, #tpu.memory_space<vmem>> -> memref<1x8x128xi32, #tpu.memory_space<vmem>>
          %dma_start3A_244 = tpu.memref_squeeze %dma_start3A_243 : memref<1x8x128xi32, #tpu.memory_space<vmem>> -> memref<8x128xi32, #tpu.memory_space<vmem>>
          %dma_start3A_245 = arith.constant 0 : i32
          %dma_start3A_246 = arith.constant 0 : i32
          %dma_start3A_247 = tpu.memref_slice %arg2[%sub3A_92, %select_n3A, %dma_start3A_245, %dma_start3A_246] : memref<26x20x8x128xi32, #tpu.memory_space<hbm>> -> memref<1x1x8x128xi32, #tpu.memory_space<hbm>>
          %dma_start3A_248 = tpu.memref_squeeze %dma_start3A_247 : memref<1x1x8x128xi32, #tpu.memory_space<hbm>> -> memref<8x128xi32, #tpu.memory_space<hbm>>
          %dma_start3A_249 = arith.constant 0 : i32
          %dma_start3A_250 = arith.constant 0 : i32
          %dma_start3A_251 = tpu.memref_slice %arg5[%cond3A_57, %dma_start3A_249, %dma_start3A_250] : memref<2x8x128xi32, #tpu.memory_space<vmem>> -> memref<1x8x128xi32, #tpu.memory_space<vmem>>
          %dma_start3A_252 = tpu.memref_squeeze %dma_start3A_251 : memref<1x8x128xi32, #tpu.memory_space<vmem>> -> memref<8x128xi32, #tpu.memory_space<vmem>>
          %dma_start3A_253 = arith.constant 0 : i32
          %dma_start3A_254 = arith.constant 0 : i32
          %dma_start3A_255 = tpu.memref_slice %arg2[%sub3A_92, %select_n3A, %dma_start3A_253, %dma_start3A_254] : memref<26x20x8x128xi32, #tpu.memory_space<hbm>> -> memref<1x1x8x128xi32, #tpu.memory_space<hbm>>
          %dma_start3A_256 = tpu.memref_squeeze %dma_start3A_255 : memref<1x1x8x128xi32, #tpu.memory_space<hbm>> -> memref<8x128xi32, #tpu.memory_space<hbm>>
          tpu.enqueue_dma source(%dma_start3A_256 : memref<8x128xi32, #tpu.memory_space<hbm>>) target(%dma_start3A_252 : memref<8x128xi32, #tpu.memory_space<vmem>>) target_semaphore(%run_scoped3A : memref<!tpu.dma_semaphore, #tpu.memory_space<semaphore_mem>>)
          %dma_wait3A_257 = arith.constant 0 : i32
          %dma_wait3A_258 = arith.constant 0 : i32
          %dma_wait3A_259 = tpu.memref_slice %arg5[%cond3A_57, %dma_wait3A_257, %dma_wait3A_258] : memref<2x8x128xi32, #tpu.memory_space<vmem>> -> memref<1x8x128xi32, #tpu.memory_space<vmem>>
          %dma_wait3A_260 = tpu.memref_squeeze %dma_wait3A_259 : memref<1x8x128xi32, #tpu.memory_space<vmem>> -> memref<8x128xi32, #tpu.memory_space<vmem>>
          %dma_wait3A_261 = arith.constant 0 : i32
          %dma_wait3A_262 = arith.constant 0 : i32
          %dma_wait3A_263 = tpu.memref_slice %arg2[%sub3A_92, %select_n3A, %dma_wait3A_261, %dma_wait3A_262] : memref<26x20x8x128xi32, #tpu.memory_space<hbm>> -> memref<1x1x8x128xi32, #tpu.memory_space<hbm>>
          %dma_wait3A_264 = tpu.memref_squeeze %dma_wait3A_263 : memref<1x1x8x128xi32, #tpu.memory_space<hbm>> -> memref<8x128xi32, #tpu.memory_space<hbm>>
          %dma_wait3A_265 = arith.constant 0 : i32
          %dma_wait3A_266 = arith.constant 0 : i32
          %dma_wait3A_267 = tpu.memref_slice %arg5[%cond3A_57, %dma_wait3A_265, %dma_wait3A_266] : memref<2x8x128xi32, #tpu.memory_space<vmem>> -> memref<1x8x128xi32, #tpu.memory_space<vmem>>
          %dma_wait3A_268 = tpu.memref_squeeze %dma_wait3A_267 : memref<1x8x128xi32, #tpu.memory_space<vmem>> -> memref<8x128xi32, #tpu.memory_space<vmem>>
          %dma_wait3A_269 = arith.constant 0 : i32
          %dma_wait3A_270 = arith.constant 0 : i32
          %dma_wait3A_271 = tpu.memref_slice %arg2[%sub3A_92, %select_n3A, %dma_wait3A_269, %dma_wait3A_270] : memref<26x20x8x128xi32, #tpu.memory_space<hbm>> -> memref<1x1x8x128xi32, #tpu.memory_space<hbm>>
          %dma_wait3A_272 = tpu.memref_squeeze %dma_wait3A_271 : memref<1x1x8x128xi32, #tpu.memory_space<hbm>> -> memref<8x128xi32, #tpu.memory_space<hbm>>
          tpu.wait_dma2 semaphore(%run_scoped3A : memref<!tpu.dma_semaphore, #tpu.memory_space<semaphore_mem>>) src(%dma_wait3A_272 : memref<8x128xi32, #tpu.memory_space<hbm>>) dst(%dma_wait3A_268 : memref<8x128xi32, #tpu.memory_space<vmem>>)
          tpu.yield
        }) : () -> ()
        %scan3A_97 = arith.constant 0 : i32
        %scan3A_98 = arith.constant 32 : i32
        %scan3A_99 = arith.addi %scan3A_97, %scan3A_98 : i32
        %scan3A_100 = arith.constant 1 : i32
        scf.for %scan3A_241 = %scan3A_97 to %scan3A_99 step %scan3A_100  : i32 {
          %dma_start3A_242 = arith.constant 0 : i32
          %dma_start3A_243 = arith.constant 0 : i32
          %dma_start3A_244 = arith.constant 0 : i32
          %dma_start3A_245 = arith.constant 0 : i32
          %dma_start3A_246 = arith.constant 0 : i32
          %dma_start3A_247 = tpu.memref_slice %arg6[%cond3A, %dma_start3A_244, %dma_start3A_245, %dma_start3A_246] : memref<2x32x8x128xf32, #tpu.memory_space<vmem>> -> memref<1x32x8x128xf32, #tpu.memory_space<vmem>>
          %dma_start3A_248 = tpu.memref_squeeze %dma_start3A_247 : memref<1x32x8x128xf32, #tpu.memory_space<vmem>> -> memref<32x8x128xf32, #tpu.memory_space<vmem>>
          %dma_start3A_249 = arith.constant 0 : i32
          %dma_start3A_250 = tpu.memref_slice %dma_start3A_248[%scan3A_241, %dma_start3A_243, %dma_start3A_249] : memref<32x8x128xf32, #tpu.memory_space<vmem>> -> memref<1x1x128xf32, #tpu.memory_space<vmem>>
          %dma_start3A_251 = tpu.memref_squeeze %dma_start3A_250 : memref<1x1x128xf32, #tpu.memory_space<vmem>> -> memref<128xf32, #tpu.memory_space<vmem>>
          %dma_start3A_252 = arith.constant 0 : i32
          %dma_start3A_253 = arith.constant 0 : i32
          %dma_start3A_254 = tpu.memref_slice %arg5[%cond3A_57, %dma_start3A_252, %dma_start3A_253] : memref<2x8x128xi32, #tpu.memory_space<vmem>> -> memref<1x8x128xi32, #tpu.memory_space<vmem>>
          %dma_start3A_255 = tpu.memref_squeeze %dma_start3A_254 : memref<1x8x128xi32, #tpu.memory_space<vmem>> -> memref<8x128xi32, #tpu.memory_space<vmem>>
          %dma_start3A_256 = arith.constant 0 : i32
          %dma_start3A_257 = tpu.memref_slice %dma_start3A_255[%dma_start3A_242, %dma_start3A_256] : memref<8x128xi32, #tpu.memory_space<vmem>> -> memref<1x128xi32, #tpu.memory_space<vmem>>
          %dma_start3A_258 = tpu.memref_squeeze %dma_start3A_257 : memref<1x128xi32, #tpu.memory_space<vmem>> -> memref<128xi32, #tpu.memory_space<vmem>>
          %dma_start3A_259 = arith.constant 0 : i32
          %dma_start3A_260 = tpu.memref_slice %arg3[%sub3A_92, %scan3A_241, %dma_start3A_259] : memref<26x32x100000xf32, #tpu.memory_space<hbm>> -> memref<1x1x100000xf32, #tpu.memory_space<hbm>>
          %dma_start3A_261 = tpu.memref_squeeze %dma_start3A_260 : memref<1x1x100000xf32, #tpu.memory_space<hbm>> -> memref<100000xf32, #tpu.memory_space<hbm>>
          %dma_start3A_262 = arith.constant 0 : i32
          %dma_start3A_263 = tpu.memref_slice %dma_start3A_261[%dma_start3A_262] : memref<100000xf32, #tpu.memory_space<hbm>> -> memref<100000xf32, #tpu.memory_space<hbm>>
          tpu.enqueue_indirect_dma source(%dma_start3A_263 : memref<100000xf32, #tpu.memory_space<hbm>>) target(%dma_start3A_251 : memref<128xf32, #tpu.memory_space<vmem>>) offsets(%dma_start3A_258 : memref<128xi32, #tpu.memory_space<vmem>>) semaphore(%arg7 : memref<!tpu.dma_semaphore, #tpu.memory_space<semaphore_mem>>)
          %dma_start3A_264 = arith.constant 1 : i32
          %dma_start3A_265 = arith.constant 1 : i32
          %dma_start3A_266 = arith.constant 0 : i32
          %dma_start3A_267 = arith.constant 0 : i32
          %dma_start3A_268 = arith.constant 0 : i32
          %dma_start3A_269 = tpu.memref_slice %arg6[%cond3A, %dma_start3A_266, %dma_start3A_267, %dma_start3A_268] : memref<2x32x8x128xf32, #tpu.memory_space<vmem>> -> memref<1x32x8x128xf32, #tpu.memory_space<vmem>>
          %dma_start3A_270 = tpu.memref_squeeze %dma_start3A_269 : memref<1x32x8x128xf32, #tpu.memory_space<vmem>> -> memref<32x8x128xf32, #tpu.memory_space<vmem>>
          %dma_start3A_271 = arith.constant 0 : i32
          %dma_start3A_272 = tpu.memref_slice %dma_start3A_270[%scan3A_241, %dma_start3A_265, %dma_start3A_271] : memref<32x8x128xf32, #tpu.memory_space<vmem>> -> memref<1x1x128xf32, #tpu.memory_space<vmem>>
          %dma_start3A_273 = tpu.memref_squeeze %dma_start3A_272 : memref<1x1x128xf32, #tpu.memory_space<vmem>> -> memref<128xf32, #tpu.memory_space<vmem>>
          %dma_start3A_274 = arith.constant 0 : i32
          %dma_start3A_275 = arith.constant 0 : i32
          %dma_start3A_276 = tpu.memref_slice %arg5[%cond3A_57, %dma_start3A_274, %dma_start3A_275] : memref<2x8x128xi32, #tpu.memory_space<vmem>> -> memref<1x8x128xi32, #tpu.memory_space<vmem>>
          %dma_start3A_277 = tpu.memref_squeeze %dma_start3A_276 : memref<1x8x128xi32, #tpu.memory_space<vmem>> -> memref<8x128xi32, #tpu.memory_space<vmem>>
          %dma_start3A_278 = arith.constant 0 : i32
          %dma_start3A_279 = tpu.memref_slice %dma_start3A_277[%dma_start3A_264, %dma_start3A_278] : memref<8x128xi32, #tpu.memory_space<vmem>> -> memref<1x128xi32, #tpu.memory_space<vmem>>
          %dma_start3A_280 = tpu.memref_squeeze %dma_start3A_279 : memref<1x128xi32, #tpu.memory_space<vmem>> -> memref<128xi32, #tpu.memory_space<vmem>>
          %dma_start3A_281 = arith.constant 0 : i32
          %dma_start3A_282 = tpu.memref_slice %arg3[%sub3A_92, %scan3A_241, %dma_start3A_281] : memref<26x32x100000xf32, #tpu.memory_space<hbm>> -> memref<1x1x100000xf32, #tpu.memory_space<hbm>>
          %dma_start3A_283 = tpu.memref_squeeze %dma_start3A_282 : memref<1x1x100000xf32, #tpu.memory_space<hbm>> -> memref<100000xf32, #tpu.memory_space<hbm>>
          %dma_start3A_284 = arith.constant 0 : i32
          %dma_start3A_285 = tpu.memref_slice %dma_start3A_283[%dma_start3A_284] : memref<100000xf32, #tpu.memory_space<hbm>> -> memref<100000xf32, #tpu.memory_space<hbm>>
          tpu.enqueue_indirect_dma source(%dma_start3A_285 : memref<100000xf32, #tpu.memory_space<hbm>>) target(%dma_start3A_273 : memref<128xf32, #tpu.memory_space<vmem>>) offsets(%dma_start3A_280 : memref<128xi32, #tpu.memory_space<vmem>>) semaphore(%arg7 : memref<!tpu.dma_semaphore, #tpu.memory_space<semaphore_mem>>)
          %dma_start3A_286 = arith.constant 2 : i32
          %dma_start3A_287 = arith.constant 2 : i32
          %dma_start3A_288 = arith.constant 0 : i32
          %dma_start3A_289 = arith.constant 0 : i32
          %dma_start3A_290 = arith.constant 0 : i32
          %dma_start3A_291 = tpu.memref_slice %arg6[%cond3A, %dma_start3A_288, %dma_start3A_289, %dma_start3A_290] : memref<2x32x8x128xf32, #tpu.memory_space<vmem>> -> memref<1x32x8x128xf32, #tpu.memory_space<vmem>>
          %dma_start3A_292 = tpu.memref_squeeze %dma_start3A_291 : memref<1x32x8x128xf32, #tpu.memory_space<vmem>> -> memref<32x8x128xf32, #tpu.memory_space<vmem>>
          %dma_start3A_293 = arith.constant 0 : i32
          %dma_start3A_294 = tpu.memref_slice %dma_start3A_292[%scan3A_241, %dma_start3A_287, %dma_start3A_293] : memref<32x8x128xf32, #tpu.memory_space<vmem>> -> memref<1x1x128xf32, #tpu.memory_space<vmem>>
          %dma_start3A_295 = tpu.memref_squeeze %dma_start3A_294 : memref<1x1x128xf32, #tpu.memory_space<vmem>> -> memref<128xf32, #tpu.memory_space<vmem>>
          %dma_start3A_296 = arith.constant 0 : i32
          %dma_start3A_297 = arith.constant 0 : i32
          %dma_start3A_298 = tpu.memref_slice %arg5[%cond3A_57, %dma_start3A_296, %dma_start3A_297] : memref<2x8x128xi32, #tpu.memory_space<vmem>> -> memref<1x8x128xi32, #tpu.memory_space<vmem>>
          %dma_start3A_299 = tpu.memref_squeeze %dma_start3A_298 : memref<1x8x128xi32, #tpu.memory_space<vmem>> -> memref<8x128xi32, #tpu.memory_space<vmem>>
          %dma_start3A_300 = arith.constant 0 : i32
          %dma_start3A_301 = tpu.memref_slice %dma_start3A_299[%dma_start3A_286, %dma_start3A_300] : memref<8x128xi32, #tpu.memory_space<vmem>> -> memref<1x128xi32, #tpu.memory_space<vmem>>
          %dma_start3A_302 = tpu.memref_squeeze %dma_start3A_301 : memref<1x128xi32, #tpu.memory_space<vmem>> -> memref<128xi32, #tpu.memory_space<vmem>>
          %dma_start3A_303 = arith.constant 0 : i32
          %dma_start3A_304 = tpu.memref_slice %arg3[%sub3A_92, %scan3A_241, %dma_start3A_303] : memref<26x32x100000xf32, #tpu.memory_space<hbm>> -> memref<1x1x100000xf32, #tpu.memory_space<hbm>>
          %dma_start3A_305 = tpu.memref_squeeze %dma_start3A_304 : memref<1x1x100000xf32, #tpu.memory_space<hbm>> -> memref<100000xf32, #tpu.memory_space<hbm>>
          %dma_start3A_306 = arith.constant 0 : i32
          %dma_start3A_307 = tpu.memref_slice %dma_start3A_305[%dma_start3A_306] : memref<100000xf32, #tpu.memory_space<hbm>> -> memref<100000xf32, #tpu.memory_space<hbm>>
          tpu.enqueue_indirect_dma source(%dma_start3A_307 : memref<100000xf32, #tpu.memory_space<hbm>>) target(%dma_start3A_295 : memref<128xf32, #tpu.memory_space<vmem>>) offsets(%dma_start3A_302 : memref<128xi32, #tpu.memory_space<vmem>>) semaphore(%arg7 : memref<!tpu.dma_semaphore, #tpu.memory_space<semaphore_mem>>)
          %dma_start3A_308 = arith.constant 3 : i32
          %dma_start3A_309 = arith.constant 3 : i32
          %dma_start3A_310 = arith.constant 0 : i32
          %dma_start3A_311 = arith.constant 0 : i32
          %dma_start3A_312 = arith.constant 0 : i32
          %dma_start3A_313 = tpu.memref_slice %arg6[%cond3A, %dma_start3A_310, %dma_start3A_311, %dma_start3A_312] : memref<2x32x8x128xf32, #tpu.memory_space<vmem>> -> memref<1x32x8x128xf32, #tpu.memory_space<vmem>>
          %dma_start3A_314 = tpu.memref_squeeze %dma_start3A_313 : memref<1x32x8x128xf32, #tpu.memory_space<vmem>> -> memref<32x8x128xf32, #tpu.memory_space<vmem>>
          %dma_start3A_315 = arith.constant 0 : i32
          %dma_start3A_316 = tpu.memref_slice %dma_start3A_314[%scan3A_241, %dma_start3A_309, %dma_start3A_315] : memref<32x8x128xf32, #tpu.memory_space<vmem>> -> memref<1x1x128xf32, #tpu.memory_space<vmem>>
          %dma_start3A_317 = tpu.memref_squeeze %dma_start3A_316 : memref<1x1x128xf32, #tpu.memory_space<vmem>> -> memref<128xf32, #tpu.memory_space<vmem>>
          %dma_start3A_318 = arith.constant 0 : i32
          %dma_start3A_319 = arith.constant 0 : i32
          %dma_start3A_320 = tpu.memref_slice %arg5[%cond3A_57, %dma_start3A_318, %dma_start3A_319] : memref<2x8x128xi32, #tpu.memory_space<vmem>> -> memref<1x8x128xi32, #tpu.memory_space<vmem>>
          %dma_start3A_321 = tpu.memref_squeeze %dma_start3A_320 : memref<1x8x128xi32, #tpu.memory_space<vmem>> -> memref<8x128xi32, #tpu.memory_space<vmem>>
          %dma_start3A_322 = arith.constant 0 : i32
          %dma_start3A_323 = tpu.memref_slice %dma_start3A_321[%dma_start3A_308, %dma_start3A_322] : memref<8x128xi32, #tpu.memory_space<vmem>> -> memref<1x128xi32, #tpu.memory_space<vmem>>
          %dma_start3A_324 = tpu.memref_squeeze %dma_start3A_323 : memref<1x128xi32, #tpu.memory_space<vmem>> -> memref<128xi32, #tpu.memory_space<vmem>>
          %dma_start3A_325 = arith.constant 0 : i32
          %dma_start3A_326 = tpu.memref_slice %arg3[%sub3A_92, %scan3A_241, %dma_start3A_325] : memref<26x32x100000xf32, #tpu.memory_space<hbm>> -> memref<1x1x100000xf32, #tpu.memory_space<hbm>>
          %dma_start3A_327 = tpu.memref_squeeze %dma_start3A_326 : memref<1x1x100000xf32, #tpu.memory_space<hbm>> -> memref<100000xf32, #tpu.memory_space<hbm>>
          %dma_start3A_328 = arith.constant 0 : i32
          %dma_start3A_329 = tpu.memref_slice %dma_start3A_327[%dma_start3A_328] : memref<100000xf32, #tpu.memory_space<hbm>> -> memref<100000xf32, #tpu.memory_space<hbm>>
          tpu.enqueue_indirect_dma source(%dma_start3A_329 : memref<100000xf32, #tpu.memory_space<hbm>>) target(%dma_start3A_317 : memref<128xf32, #tpu.memory_space<vmem>>) offsets(%dma_start3A_324 : memref<128xi32, #tpu.memory_space<vmem>>) semaphore(%arg7 : memref<!tpu.dma_semaphore, #tpu.memory_space<semaphore_mem>>)
          %dma_start3A_330 = arith.constant 4 : i32
          %dma_start3A_331 = arith.constant 4 : i32
          %dma_start3A_332 = arith.constant 0 : i32
          %dma_start3A_333 = arith.constant 0 : i32
          %dma_start3A_334 = arith.constant 0 : i32
          %dma_start3A_335 = tpu.memref_slice %arg6[%cond3A, %dma_start3A_332, %dma_start3A_333, %dma_start3A_334] : memref<2x32x8x128xf32, #tpu.memory_space<vmem>> -> memref<1x32x8x128xf32, #tpu.memory_space<vmem>>
          %dma_start3A_336 = tpu.memref_squeeze %dma_start3A_335 : memref<1x32x8x128xf32, #tpu.memory_space<vmem>> -> memref<32x8x128xf32, #tpu.memory_space<vmem>>
          %dma_start3A_337 = arith.constant 0 : i32
          %dma_start3A_338 = tpu.memref_slice %dma_start3A_336[%scan3A_241, %dma_start3A_331, %dma_start3A_337] : memref<32x8x128xf32, #tpu.memory_space<vmem>> -> memref<1x1x128xf32, #tpu.memory_space<vmem>>
          %dma_start3A_339 = tpu.memref_squeeze %dma_start3A_338 : memref<1x1x128xf32, #tpu.memory_space<vmem>> -> memref<128xf32, #tpu.memory_space<vmem>>
          %dma_start3A_340 = arith.constant 0 : i32
          %dma_start3A_341 = arith.constant 0 : i32
          %dma_start3A_342 = tpu.memref_slice %arg5[%cond3A_57, %dma_start3A_340, %dma_start3A_341] : memref<2x8x128xi32, #tpu.memory_space<vmem>> -> memref<1x8x128xi32, #tpu.memory_space<vmem>>
          %dma_start3A_343 = tpu.memref_squeeze %dma_start3A_342 : memref<1x8x128xi32, #tpu.memory_space<vmem>> -> memref<8x128xi32, #tpu.memory_space<vmem>>
          %dma_start3A_344 = arith.constant 0 : i32
          %dma_start3A_345 = tpu.memref_slice %dma_start3A_343[%dma_start3A_330, %dma_start3A_344] : memref<8x128xi32, #tpu.memory_space<vmem>> -> memref<1x128xi32, #tpu.memory_space<vmem>>
          %dma_start3A_346 = tpu.memref_squeeze %dma_start3A_345 : memref<1x128xi32, #tpu.memory_space<vmem>> -> memref<128xi32, #tpu.memory_space<vmem>>
          %dma_start3A_347 = arith.constant 0 : i32
          %dma_start3A_348 = tpu.memref_slice %arg3[%sub3A_92, %scan3A_241, %dma_start3A_347] : memref<26x32x100000xf32, #tpu.memory_space<hbm>> -> memref<1x1x100000xf32, #tpu.memory_space<hbm>>
          %dma_start3A_349 = tpu.memref_squeeze %dma_start3A_348 : memref<1x1x100000xf32, #tpu.memory_space<hbm>> -> memref<100000xf32, #tpu.memory_space<hbm>>
          %dma_start3A_350 = arith.constant 0 : i32
          %dma_start3A_351 = tpu.memref_slice %dma_start3A_349[%dma_start3A_350] : memref<100000xf32, #tpu.memory_space<hbm>> -> memref<100000xf32, #tpu.memory_space<hbm>>
          tpu.enqueue_indirect_dma source(%dma_start3A_351 : memref<100000xf32, #tpu.memory_space<hbm>>) target(%dma_start3A_339 : memref<128xf32, #tpu.memory_space<vmem>>) offsets(%dma_start3A_346 : memref<128xi32, #tpu.memory_space<vmem>>) semaphore(%arg7 : memref<!tpu.dma_semaphore, #tpu.memory_space<semaphore_mem>>)
          %dma_start3A_352 = arith.constant 5 : i32
          %dma_start3A_353 = arith.constant 5 : i32
          %dma_start3A_354 = arith.constant 0 : i32
          %dma_start3A_355 = arith.constant 0 : i32
          %dma_start3A_356 = arith.constant 0 : i32
          %dma_start3A_357 = tpu.memref_slice %arg6[%cond3A, %dma_start3A_354, %dma_start3A_355, %dma_start3A_356] : memref<2x32x8x128xf32, #tpu.memory_space<vmem>> -> memref<1x32x8x128xf32, #tpu.memory_space<vmem>>
          %dma_start3A_358 = tpu.memref_squeeze %dma_start3A_357 : memref<1x32x8x128xf32, #tpu.memory_space<vmem>> -> memref<32x8x128xf32, #tpu.memory_space<vmem>>
          %dma_start3A_359 = arith.constant 0 : i32
          %dma_start3A_360 = tpu.memref_slice %dma_start3A_358[%scan3A_241, %dma_start3A_353, %dma_start3A_359] : memref<32x8x128xf32, #tpu.memory_space<vmem>> -> memref<1x1x128xf32, #tpu.memory_space<vmem>>
          %dma_start3A_361 = tpu.memref_squeeze %dma_start3A_360 : memref<1x1x128xf32, #tpu.memory_space<vmem>> -> memref<128xf32, #tpu.memory_space<vmem>>
          %dma_start3A_362 = arith.constant 0 : i32
          %dma_start3A_363 = arith.constant 0 : i32
          %dma_start3A_364 = tpu.memref_slice %arg5[%cond3A_57, %dma_start3A_362, %dma_start3A_363] : memref<2x8x128xi32, #tpu.memory_space<vmem>> -> memref<1x8x128xi32, #tpu.memory_space<vmem>>
          %dma_start3A_365 = tpu.memref_squeeze %dma_start3A_364 : memref<1x8x128xi32, #tpu.memory_space<vmem>> -> memref<8x128xi32, #tpu.memory_space<vmem>>
          %dma_start3A_366 = arith.constant 0 : i32
          %dma_start3A_367 = tpu.memref_slice %dma_start3A_365[%dma_start3A_352, %dma_start3A_366] : memref<8x128xi32, #tpu.memory_space<vmem>> -> memref<1x128xi32, #tpu.memory_space<vmem>>
          %dma_start3A_368 = tpu.memref_squeeze %dma_start3A_367 : memref<1x128xi32, #tpu.memory_space<vmem>> -> memref<128xi32, #tpu.memory_space<vmem>>
          %dma_start3A_369 = arith.constant 0 : i32
          %dma_start3A_370 = tpu.memref_slice %arg3[%sub3A_92, %scan3A_241, %dma_start3A_369] : memref<26x32x100000xf32, #tpu.memory_space<hbm>> -> memref<1x1x100000xf32, #tpu.memory_space<hbm>>
          %dma_start3A_371 = tpu.memref_squeeze %dma_start3A_370 : memref<1x1x100000xf32, #tpu.memory_space<hbm>> -> memref<100000xf32, #tpu.memory_space<hbm>>
          %dma_start3A_372 = arith.constant 0 : i32
          %dma_start3A_373 = tpu.memref_slice %dma_start3A_371[%dma_start3A_372] : memref<100000xf32, #tpu.memory_space<hbm>> -> memref<100000xf32, #tpu.memory_space<hbm>>
          tpu.enqueue_indirect_dma source(%dma_start3A_373 : memref<100000xf32, #tpu.memory_space<hbm>>) target(%dma_start3A_361 : memref<128xf32, #tpu.memory_space<vmem>>) offsets(%dma_start3A_368 : memref<128xi32, #tpu.memory_space<vmem>>) semaphore(%arg7 : memref<!tpu.dma_semaphore, #tpu.memory_space<semaphore_mem>>)
          %dma_start3A_374 = arith.constant 6 : i32
          %dma_start3A_375 = arith.constant 6 : i32
          %dma_start3A_376 = arith.constant 0 : i32
          %dma_start3A_377 = arith.constant 0 : i32
          %dma_start3A_378 = arith.constant 0 : i32
          %dma_start3A_379 = tpu.memref_slice %arg6[%cond3A, %dma_start3A_376, %dma_start3A_377, %dma_start3A_378] : memref<2x32x8x128xf32, #tpu.memory_space<vmem>> -> memref<1x32x8x128xf32, #tpu.memory_space<vmem>>
          %dma_start3A_380 = tpu.memref_squeeze %dma_start3A_379 : memref<1x32x8x128xf32, #tpu.memory_space<vmem>> -> memref<32x8x128xf32, #tpu.memory_space<vmem>>
          %dma_start3A_381 = arith.constant 0 : i32
          %dma_start3A_382 = tpu.memref_slice %dma_start3A_380[%scan3A_241, %dma_start3A_375, %dma_start3A_381] : memref<32x8x128xf32, #tpu.memory_space<vmem>> -> memref<1x1x128xf32, #tpu.memory_space<vmem>>
          %dma_start3A_383 = tpu.memref_squeeze %dma_start3A_382 : memref<1x1x128xf32, #tpu.memory_space<vmem>> -> memref<128xf32, #tpu.memory_space<vmem>>
          %dma_start3A_384 = arith.constant 0 : i32
          %dma_start3A_385 = arith.constant 0 : i32
          %dma_start3A_386 = tpu.memref_slice %arg5[%cond3A_57, %dma_start3A_384, %dma_start3A_385] : memref<2x8x128xi32, #tpu.memory_space<vmem>> -> memref<1x8x128xi32, #tpu.memory_space<vmem>>
          %dma_start3A_387 = tpu.memref_squeeze %dma_start3A_386 : memref<1x8x128xi32, #tpu.memory_space<vmem>> -> memref<8x128xi32, #tpu.memory_space<vmem>>
          %dma_start3A_388 = arith.constant 0 : i32
          %dma_start3A_389 = tpu.memref_slice %dma_start3A_387[%dma_start3A_374, %dma_start3A_388] : memref<8x128xi32, #tpu.memory_space<vmem>> -> memref<1x128xi32, #tpu.memory_space<vmem>>
          %dma_start3A_390 = tpu.memref_squeeze %dma_start3A_389 : memref<1x128xi32, #tpu.memory_space<vmem>> -> memref<128xi32, #tpu.memory_space<vmem>>
          %dma_start3A_391 = arith.constant 0 : i32
          %dma_start3A_392 = tpu.memref_slice %arg3[%sub3A_92, %scan3A_241, %dma_start3A_391] : memref<26x32x100000xf32, #tpu.memory_space<hbm>> -> memref<1x1x100000xf32, #tpu.memory_space<hbm>>
          %dma_start3A_393 = tpu.memref_squeeze %dma_start3A_392 : memref<1x1x100000xf32, #tpu.memory_space<hbm>> -> memref<100000xf32, #tpu.memory_space<hbm>>
          %dma_start3A_394 = arith.constant 0 : i32
          %dma_start3A_395 = tpu.memref_slice %dma_start3A_393[%dma_start3A_394] : memref<100000xf32, #tpu.memory_space<hbm>> -> memref<100000xf32, #tpu.memory_space<hbm>>
          tpu.enqueue_indirect_dma source(%dma_start3A_395 : memref<100000xf32, #tpu.memory_space<hbm>>) target(%dma_start3A_383 : memref<128xf32, #tpu.memory_space<vmem>>) offsets(%dma_start3A_390 : memref<128xi32, #tpu.memory_space<vmem>>) semaphore(%arg7 : memref<!tpu.dma_semaphore, #tpu.memory_space<semaphore_mem>>)
          %dma_start3A_396 = arith.constant 7 : i32
          %dma_start3A_397 = arith.constant 7 : i32
          %dma_start3A_398 = arith.constant 0 : i32
          %dma_start3A_399 = arith.constant 0 : i32
          %dma_start3A_400 = arith.constant 0 : i32
          %dma_start3A_401 = tpu.memref_slice %arg6[%cond3A, %dma_start3A_398, %dma_start3A_399, %dma_start3A_400] : memref<2x32x8x128xf32, #tpu.memory_space<vmem>> -> memref<1x32x8x128xf32, #tpu.memory_space<vmem>>
          %dma_start3A_402 = tpu.memref_squeeze %dma_start3A_401 : memref<1x32x8x128xf32, #tpu.memory_space<vmem>> -> memref<32x8x128xf32, #tpu.memory_space<vmem>>
          %dma_start3A_403 = arith.constant 0 : i32
          %dma_start3A_404 = tpu.memref_slice %dma_start3A_402[%scan3A_241, %dma_start3A_397, %dma_start3A_403] : memref<32x8x128xf32, #tpu.memory_space<vmem>> -> memref<1x1x128xf32, #tpu.memory_space<vmem>>
          %dma_start3A_405 = tpu.memref_squeeze %dma_start3A_404 : memref<1x1x128xf32, #tpu.memory_space<vmem>> -> memref<128xf32, #tpu.memory_space<vmem>>
          %dma_start3A_406 = arith.constant 0 : i32
          %dma_start3A_407 = arith.constant 0 : i32
          %dma_start3A_408 = tpu.memref_slice %arg5[%cond3A_57, %dma_start3A_406, %dma_start3A_407] : memref<2x8x128xi32, #tpu.memory_space<vmem>> -> memref<1x8x128xi32, #tpu.memory_space<vmem>>
          %dma_start3A_409 = tpu.memref_squeeze %dma_start3A_408 : memref<1x8x128xi32, #tpu.memory_space<vmem>> -> memref<8x128xi32, #tpu.memory_space<vmem>>
          %dma_start3A_410 = arith.constant 0 : i32
          %dma_start3A_411 = tpu.memref_slice %dma_start3A_409[%dma_start3A_396, %dma_start3A_410] : memref<8x128xi32, #tpu.memory_space<vmem>> -> memref<1x128xi32, #tpu.memory_space<vmem>>
          %dma_start3A_412 = tpu.memref_squeeze %dma_start3A_411 : memref<1x128xi32, #tpu.memory_space<vmem>> -> memref<128xi32, #tpu.memory_space<vmem>>
          %dma_start3A_413 = arith.constant 0 : i32
          %dma_start3A_414 = tpu.memref_slice %arg3[%sub3A_92, %scan3A_241, %dma_start3A_413] : memref<26x32x100000xf32, #tpu.memory_space<hbm>> -> memref<1x1x100000xf32, #tpu.memory_space<hbm>>
          %dma_start3A_415 = tpu.memref_squeeze %dma_start3A_414 : memref<1x1x100000xf32, #tpu.memory_space<hbm>> -> memref<100000xf32, #tpu.memory_space<hbm>>
          %dma_start3A_416 = arith.constant 0 : i32
          %dma_start3A_417 = tpu.memref_slice %dma_start3A_415[%dma_start3A_416] : memref<100000xf32, #tpu.memory_space<hbm>> -> memref<100000xf32, #tpu.memory_space<hbm>>
          tpu.enqueue_indirect_dma source(%dma_start3A_417 : memref<100000xf32, #tpu.memory_space<hbm>>) target(%dma_start3A_405 : memref<128xf32, #tpu.memory_space<vmem>>) offsets(%dma_start3A_412 : memref<128xi32, #tpu.memory_space<vmem>>) semaphore(%arg7 : memref<!tpu.dma_semaphore, #tpu.memory_space<semaphore_mem>>)
          %ge3A_418 = arith.constant 4 : i32
          %ge3A_419 = arith.cmpi sge, %scan3A_241, %ge3A_418 : i32
          %convert_element_type3A_420 = arith.extui %ge3A_419 : i1 to i32
          %cond3A_421 = arith.constant 0 : i32
          %cond3A_422 = arith.cmpi ne, %convert_element_type3A_420, %cond3A_421 : i32
          scf.if %cond3A_422 {
            %sub3A_423 = arith.constant 4 : i32
            %sub3A_424 = arith.subi %scan3A_241, %sub3A_423 : i32
            %dma_wait3A_425 = arith.constant 0 : i32
            %dma_wait3A_426 = arith.constant 0 : i32
            %dma_wait3A_427 = arith.constant 0 : i32
            %dma_wait3A_428 = arith.constant 0 : i32
            %dma_wait3A_429 = arith.constant 0 : i32
            %dma_wait3A_430 = arith.constant 0 : i32
            %dma_wait3A_431 = tpu.memref_slice %arg6[%cond3A, %dma_wait3A_428, %dma_wait3A_429, %dma_wait3A_430] : memref<2x32x8x128xf32, #tpu.memory_space<vmem>> -> memref<1x32x8x128xf32, #tpu.memory_space<vmem>>
            %dma_wait3A_432 = tpu.memref_squeeze %dma_wait3A_431 : memref<1x32x8x128xf32, #tpu.memory_space<vmem>> -> memref<32x8x128xf32, #tpu.memory_space<vmem>>
            %dma_wait3A_433 = arith.constant 0 : i32
            %dma_wait3A_434 = arith.constant 0 : i32
            %dma_wait3A_435 = tpu.memref_slice %dma_wait3A_432[%sub3A_424, %dma_wait3A_433, %dma_wait3A_434] : memref<32x8x128xf32, #tpu.memory_space<vmem>> -> memref<1x8x128xf32, #tpu.memory_space<vmem>>
            %dma_wait3A_436 = tpu.memref_squeeze %dma_wait3A_435 : memref<1x8x128xf32, #tpu.memory_space<vmem>> -> memref<8x128xf32, #tpu.memory_space<vmem>>
            %dma_wait3A_437 = arith.constant 0 : i32
            %dma_wait3A_438 = arith.constant 0 : i32
            %dma_wait3A_439 = tpu.memref_slice %arg4[%dma_wait3A_425, %dma_wait3A_426, %dma_wait3A_427, %dma_wait3A_437, %dma_wait3A_438] : memref<20x26x32x8x128xf32, #tpu.memory_space<hbm>> -> memref<1x1x1x8x128xf32, #tpu.memory_space<hbm>>
            %dma_wait3A_440 = tpu.memref_squeeze %dma_wait3A_439 : memref<1x1x1x8x128xf32, #tpu.memory_space<hbm>> -> memref<8x128xf32, #tpu.memory_space<hbm>>
            %dma_wait3A_441 = arith.constant 0 : i32
            %dma_wait3A_442 = arith.constant 0 : i32
            %dma_wait3A_443 = arith.constant 0 : i32
            %dma_wait3A_444 = tpu.memref_slice %arg6[%cond3A, %dma_wait3A_441, %dma_wait3A_442, %dma_wait3A_443] : memref<2x32x8x128xf32, #tpu.memory_space<vmem>> -> memref<1x32x8x128xf32, #tpu.memory_space<vmem>>
            %dma_wait3A_445 = tpu.memref_squeeze %dma_wait3A_444 : memref<1x32x8x128xf32, #tpu.memory_space<vmem>> -> memref<32x8x128xf32, #tpu.memory_space<vmem>>
            %dma_wait3A_446 = arith.constant 0 : i32
            %dma_wait3A_447 = arith.constant 0 : i32
            %dma_wait3A_448 = tpu.memref_slice %dma_wait3A_445[%sub3A_424, %dma_wait3A_446, %dma_wait3A_447] : memref<32x8x128xf32, #tpu.memory_space<vmem>> -> memref<1x8x128xf32, #tpu.memory_space<vmem>>
            %dma_wait3A_449 = tpu.memref_squeeze %dma_wait3A_448 : memref<1x8x128xf32, #tpu.memory_space<vmem>> -> memref<8x128xf32, #tpu.memory_space<vmem>>
            %dma_wait3A_450 = arith.constant 0 : i32
            %dma_wait3A_451 = arith.constant 0 : i32
            %dma_wait3A_452 = tpu.memref_slice %arg4[%dma_wait3A_425, %dma_wait3A_426, %dma_wait3A_427, %dma_wait3A_450, %dma_wait3A_451] : memref<20x26x32x8x128xf32, #tpu.memory_space<hbm>> -> memref<1x1x1x8x128xf32, #tpu.memory_space<hbm>>
            %dma_wait3A_453 = tpu.memref_squeeze %dma_wait3A_452 : memref<1x1x1x8x128xf32, #tpu.memory_space<hbm>> -> memref<8x128xf32, #tpu.memory_space<hbm>>
            tpu.wait_dma2 semaphore(%arg7 : memref<!tpu.dma_semaphore, #tpu.memory_space<semaphore_mem>>) src(%dma_wait3A_453 : memref<8x128xf32, #tpu.memory_space<hbm>>) dst(%dma_wait3A_449 : memref<8x128xf32, #tpu.memory_space<vmem>>)
          } else {
          }
        }
        %scan3A_101 = arith.constant 32 : i32
        %dma_wait3A_102 = arith.constant 0 : i32
        %dma_wait3A_103 = arith.constant 0 : i32
        %dma_wait3A_104 = arith.constant 0 : i32
        %dma_wait3A_105 = arith.constant 28 : i32
        %dma_wait3A_106 = arith.constant 0 : i32
        %dma_wait3A_107 = arith.constant 0 : i32
        %dma_wait3A_108 = arith.constant 0 : i32
        %dma_wait3A_109 = tpu.memref_slice %arg6[%cond3A, %dma_wait3A_106, %dma_wait3A_107, %dma_wait3A_108] : memref<2x32x8x128xf32, #tpu.memory_space<vmem>> -> memref<1x32x8x128xf32, #tpu.memory_space<vmem>>
        %dma_wait3A_110 = tpu.memref_squeeze %dma_wait3A_109 : memref<1x32x8x128xf32, #tpu.memory_space<vmem>> -> memref<32x8x128xf32, #tpu.memory_space<vmem>>
        %dma_wait3A_111 = arith.constant 0 : i32
        %dma_wait3A_112 = arith.constant 0 : i32
        %dma_wait3A_113 = tpu.memref_slice %dma_wait3A_110[%dma_wait3A_105, %dma_wait3A_111, %dma_wait3A_112] : memref<32x8x128xf32, #tpu.memory_space<vmem>> -> memref<1x8x128xf32, #tpu.memory_space<vmem>>
        %dma_wait3A_114 = tpu.memref_squeeze %dma_wait3A_113 : memref<1x8x128xf32, #tpu.memory_space<vmem>> -> memref<8x128xf32, #tpu.memory_space<vmem>>
        %dma_wait3A_115 = arith.constant 0 : i32
        %dma_wait3A_116 = arith.constant 0 : i32
        %dma_wait3A_117 = tpu.memref_slice %arg4[%dma_wait3A_102, %dma_wait3A_103, %dma_wait3A_104, %dma_wait3A_115, %dma_wait3A_116] : memref<20x26x32x8x128xf32, #tpu.memory_space<hbm>> -> memref<1x1x1x8x128xf32, #tpu.memory_space<hbm>>
        %dma_wait3A_118 = tpu.memref_squeeze %dma_wait3A_117 : memref<1x1x1x8x128xf32, #tpu.memory_space<hbm>> -> memref<8x128xf32, #tpu.memory_space<hbm>>
        %dma_wait3A_119 = arith.constant 0 : i32
        %dma_wait3A_120 = arith.constant 0 : i32
        %dma_wait3A_121 = arith.constant 0 : i32
        %dma_wait3A_122 = tpu.memref_slice %arg6[%cond3A, %dma_wait3A_119, %dma_wait3A_120, %dma_wait3A_121] : memref<2x32x8x128xf32, #tpu.memory_space<vmem>> -> memref<1x32x8x128xf32, #tpu.memory_space<vmem>>
        %dma_wait3A_123 = tpu.memref_squeeze %dma_wait3A_122 : memref<1x32x8x128xf32, #tpu.memory_space<vmem>> -> memref<32x8x128xf32, #tpu.memory_space<vmem>>
        %dma_wait3A_124 = arith.constant 0 : i32
        %dma_wait3A_125 = arith.constant 0 : i32
        %dma_wait3A_126 = tpu.memref_slice %dma_wait3A_123[%dma_wait3A_105, %dma_wait3A_124, %dma_wait3A_125] : memref<32x8x128xf32, #tpu.memory_space<vmem>> -> memref<1x8x128xf32, #tpu.memory_space<vmem>>
        %dma_wait3A_127 = tpu.memref_squeeze %dma_wait3A_126 : memref<1x8x128xf32, #tpu.memory_space<vmem>> -> memref<8x128xf32, #tpu.memory_space<vmem>>
        %dma_wait3A_128 = arith.constant 0 : i32
        %dma_wait3A_129 = arith.constant 0 : i32
        %dma_wait3A_130 = tpu.memref_slice %arg4[%dma_wait3A_102, %dma_wait3A_103, %dma_wait3A_104, %dma_wait3A_128, %dma_wait3A_129] : memref<20x26x32x8x128xf32, #tpu.memory_space<hbm>> -> memref<1x1x1x8x128xf32, #tpu.memory_space<hbm>>
        %dma_wait3A_131 = tpu.memref_squeeze %dma_wait3A_130 : memref<1x1x1x8x128xf32, #tpu.memory_space<hbm>> -> memref<8x128xf32, #tpu.memory_space<hbm>>
        tpu.wait_dma2 semaphore(%arg7 : memref<!tpu.dma_semaphore, #tpu.memory_space<semaphore_mem>>) src(%dma_wait3A_131 : memref<8x128xf32, #tpu.memory_space<hbm>>) dst(%dma_wait3A_127 : memref<8x128xf32, #tpu.memory_space<vmem>>)
        %dma_wait3A_132 = arith.constant 0 : i32
        %dma_wait3A_133 = arith.constant 0 : i32
        %dma_wait3A_134 = arith.constant 0 : i32
        %dma_wait3A_135 = arith.constant 29 : i32
        %dma_wait3A_136 = arith.constant 0 : i32
        %dma_wait3A_137 = arith.constant 0 : i32
        %dma_wait3A_138 = arith.constant 0 : i32
        %dma_wait3A_139 = tpu.memref_slice %arg6[%cond3A, %dma_wait3A_136, %dma_wait3A_137, %dma_wait3A_138] : memref<2x32x8x128xf32, #tpu.memory_space<vmem>> -> memref<1x32x8x128xf32, #tpu.memory_space<vmem>>
        %dma_wait3A_140 = tpu.memref_squeeze %dma_wait3A_139 : memref<1x32x8x128xf32, #tpu.memory_space<vmem>> -> memref<32x8x128xf32, #tpu.memory_space<vmem>>
        %dma_wait3A_141 = arith.constant 0 : i32
        %dma_wait3A_142 = arith.constant 0 : i32
        %dma_wait3A_143 = tpu.memref_slice %dma_wait3A_140[%dma_wait3A_135, %dma_wait3A_141, %dma_wait3A_142] : memref<32x8x128xf32, #tpu.memory_space<vmem>> -> memref<1x8x128xf32, #tpu.memory_space<vmem>>
        %dma_wait3A_144 = tpu.memref_squeeze %dma_wait3A_143 : memref<1x8x128xf32, #tpu.memory_space<vmem>> -> memref<8x128xf32, #tpu.memory_space<vmem>>
        %dma_wait3A_145 = arith.constant 0 : i32
        %dma_wait3A_146 = arith.constant 0 : i32
        %dma_wait3A_147 = tpu.memref_slice %arg4[%dma_wait3A_132, %dma_wait3A_133, %dma_wait3A_134, %dma_wait3A_145, %dma_wait3A_146] : memref<20x26x32x8x128xf32, #tpu.memory_space<hbm>> -> memref<1x1x1x8x128xf32, #tpu.memory_space<hbm>>
        %dma_wait3A_148 = tpu.memref_squeeze %dma_wait3A_147 : memref<1x1x1x8x128xf32, #tpu.memory_space<hbm>> -> memref<8x128xf32, #tpu.memory_space<hbm>>
        %dma_wait3A_149 = arith.constant 0 : i32
        %dma_wait3A_150 = arith.constant 0 : i32
        %dma_wait3A_151 = arith.constant 0 : i32
        %dma_wait3A_152 = tpu.memref_slice %arg6[%cond3A, %dma_wait3A_149, %dma_wait3A_150, %dma_wait3A_151] : memref<2x32x8x128xf32, #tpu.memory_space<vmem>> -> memref<1x32x8x128xf32, #tpu.memory_space<vmem>>
        %dma_wait3A_153 = tpu.memref_squeeze %dma_wait3A_152 : memref<1x32x8x128xf32, #tpu.memory_space<vmem>> -> memref<32x8x128xf32, #tpu.memory_space<vmem>>
        %dma_wait3A_154 = arith.constant 0 : i32
        %dma_wait3A_155 = arith.constant 0 : i32
        %dma_wait3A_156 = tpu.memref_slice %dma_wait3A_153[%dma_wait3A_135, %dma_wait3A_154, %dma_wait3A_155] : memref<32x8x128xf32, #tpu.memory_space<vmem>> -> memref<1x8x128xf32, #tpu.memory_space<vmem>>
        %dma_wait3A_157 = tpu.memref_squeeze %dma_wait3A_156 : memref<1x8x128xf32, #tpu.memory_space<vmem>> -> memref<8x128xf32, #tpu.memory_space<vmem>>
        %dma_wait3A_158 = arith.constant 0 : i32
        %dma_wait3A_159 = arith.constant 0 : i32
        %dma_wait3A_160 = tpu.memref_slice %arg4[%dma_wait3A_132, %dma_wait3A_133, %dma_wait3A_134, %dma_wait3A_158, %dma_wait3A_159] : memref<20x26x32x8x128xf32, #tpu.memory_space<hbm>> -> memref<1x1x1x8x128xf32, #tpu.memory_space<hbm>>
        %dma_wait3A_161 = tpu.memref_squeeze %dma_wait3A_160 : memref<1x1x1x8x128xf32, #tpu.memory_space<hbm>> -> memref<8x128xf32, #tpu.memory_space<hbm>>
        tpu.wait_dma2 semaphore(%arg7 : memref<!tpu.dma_semaphore, #tpu.memory_space<semaphore_mem>>) src(%dma_wait3A_161 : memref<8x128xf32, #tpu.memory_space<hbm>>) dst(%dma_wait3A_157 : memref<8x128xf32, #tpu.memory_space<vmem>>)
        %dma_wait3A_162 = arith.constant 0 : i32
        %dma_wait3A_163 = arith.constant 0 : i32
        %dma_wait3A_164 = arith.constant 0 : i32
        %dma_wait3A_165 = arith.constant 30 : i32
        %dma_wait3A_166 = arith.constant 0 : i32
        %dma_wait3A_167 = arith.constant 0 : i32
        %dma_wait3A_168 = arith.constant 0 : i32
        %dma_wait3A_169 = tpu.memref_slice %arg6[%cond3A, %dma_wait3A_166, %dma_wait3A_167, %dma_wait3A_168] : memref<2x32x8x128xf32, #tpu.memory_space<vmem>> -> memref<1x32x8x128xf32, #tpu.memory_space<vmem>>
        %dma_wait3A_170 = tpu.memref_squeeze %dma_wait3A_169 : memref<1x32x8x128xf32, #tpu.memory_space<vmem>> -> memref<32x8x128xf32, #tpu.memory_space<vmem>>
        %dma_wait3A_171 = arith.constant 0 : i32
        %dma_wait3A_172 = arith.constant 0 : i32
        %dma_wait3A_173 = tpu.memref_slice %dma_wait3A_170[%dma_wait3A_165, %dma_wait3A_171, %dma_wait3A_172] : memref<32x8x128xf32, #tpu.memory_space<vmem>> -> memref<1x8x128xf32, #tpu.memory_space<vmem>>
        %dma_wait3A_174 = tpu.memref_squeeze %dma_wait3A_173 : memref<1x8x128xf32, #tpu.memory_space<vmem>> -> memref<8x128xf32, #tpu.memory_space<vmem>>
        %dma_wait3A_175 = arith.constant 0 : i32
        %dma_wait3A_176 = arith.constant 0 : i32
        %dma_wait3A_177 = tpu.memref_slice %arg4[%dma_wait3A_162, %dma_wait3A_163, %dma_wait3A_164, %dma_wait3A_175, %dma_wait3A_176] : memref<20x26x32x8x128xf32, #tpu.memory_space<hbm>> -> memref<1x1x1x8x128xf32, #tpu.memory_space<hbm>>
        %dma_wait3A_178 = tpu.memref_squeeze %dma_wait3A_177 : memref<1x1x1x8x128xf32, #tpu.memory_space<hbm>> -> memref<8x128xf32, #tpu.memory_space<hbm>>
        %dma_wait3A_179 = arith.constant 0 : i32
        %dma_wait3A_180 = arith.constant 0 : i32
        %dma_wait3A_181 = arith.constant 0 : i32
        %dma_wait3A_182 = tpu.memref_slice %arg6[%cond3A, %dma_wait3A_179, %dma_wait3A_180, %dma_wait3A_181] : memref<2x32x8x128xf32, #tpu.memory_space<vmem>> -> memref<1x32x8x128xf32, #tpu.memory_space<vmem>>
        %dma_wait3A_183 = tpu.memref_squeeze %dma_wait3A_182 : memref<1x32x8x128xf32, #tpu.memory_space<vmem>> -> memref<32x8x128xf32, #tpu.memory_space<vmem>>
        %dma_wait3A_184 = arith.constant 0 : i32
        %dma_wait3A_185 = arith.constant 0 : i32
        %dma_wait3A_186 = tpu.memref_slice %dma_wait3A_183[%dma_wait3A_165, %dma_wait3A_184, %dma_wait3A_185] : memref<32x8x128xf32, #tpu.memory_space<vmem>> -> memref<1x8x128xf32, #tpu.memory_space<vmem>>
        %dma_wait3A_187 = tpu.memref_squeeze %dma_wait3A_186 : memref<1x8x128xf32, #tpu.memory_space<vmem>> -> memref<8x128xf32, #tpu.memory_space<vmem>>
        %dma_wait3A_188 = arith.constant 0 : i32
        %dma_wait3A_189 = arith.constant 0 : i32
        %dma_wait3A_190 = tpu.memref_slice %arg4[%dma_wait3A_162, %dma_wait3A_163, %dma_wait3A_164, %dma_wait3A_188, %dma_wait3A_189] : memref<20x26x32x8x128xf32, #tpu.memory_space<hbm>> -> memref<1x1x1x8x128xf32, #tpu.memory_space<hbm>>
        %dma_wait3A_191 = tpu.memref_squeeze %dma_wait3A_190 : memref<1x1x1x8x128xf32, #tpu.memory_space<hbm>> -> memref<8x128xf32, #tpu.memory_space<hbm>>
        tpu.wait_dma2 semaphore(%arg7 : memref<!tpu.dma_semaphore, #tpu.memory_space<semaphore_mem>>) src(%dma_wait3A_191 : memref<8x128xf32, #tpu.memory_space<hbm>>) dst(%dma_wait3A_187 : memref<8x128xf32, #tpu.memory_space<vmem>>)
        %dma_wait3A_192 = arith.constant 0 : i32
        %dma_wait3A_193 = arith.constant 0 : i32
        %dma_wait3A_194 = arith.constant 0 : i32
        %dma_wait3A_195 = arith.constant 31 : i32
        %dma_wait3A_196 = arith.constant 0 : i32
        %dma_wait3A_197 = arith.constant 0 : i32
        %dma_wait3A_198 = arith.constant 0 : i32
        %dma_wait3A_199 = tpu.memref_slice %arg6[%cond3A, %dma_wait3A_196, %dma_wait3A_197, %dma_wait3A_198] : memref<2x32x8x128xf32, #tpu.memory_space<vmem>> -> memref<1x32x8x128xf32, #tpu.memory_space<vmem>>
        %dma_wait3A_200 = tpu.memref_squeeze %dma_wait3A_199 : memref<1x32x8x128xf32, #tpu.memory_space<vmem>> -> memref<32x8x128xf32, #tpu.memory_space<vmem>>
        %dma_wait3A_201 = arith.constant 0 : i32
        %dma_wait3A_202 = arith.constant 0 : i32
        %dma_wait3A_203 = tpu.memref_slice %dma_wait3A_200[%dma_wait3A_195, %dma_wait3A_201, %dma_wait3A_202] : memref<32x8x128xf32, #tpu.memory_space<vmem>> -> memref<1x8x128xf32, #tpu.memory_space<vmem>>
        %dma_wait3A_204 = tpu.memref_squeeze %dma_wait3A_203 : memref<1x8x128xf32, #tpu.memory_space<vmem>> -> memref<8x128xf32, #tpu.memory_space<vmem>>
        %dma_wait3A_205 = arith.constant 0 : i32
        %dma_wait3A_206 = arith.constant 0 : i32
        %dma_wait3A_207 = tpu.memref_slice %arg4[%dma_wait3A_192, %dma_wait3A_193, %dma_wait3A_194, %dma_wait3A_205, %dma_wait3A_206] : memref<20x26x32x8x128xf32, #tpu.memory_space<hbm>> -> memref<1x1x1x8x128xf32, #tpu.memory_space<hbm>>
        %dma_wait3A_208 = tpu.memref_squeeze %dma_wait3A_207 : memref<1x1x1x8x128xf32, #tpu.memory_space<hbm>> -> memref<8x128xf32, #tpu.memory_space<hbm>>
        %dma_wait3A_209 = arith.constant 0 : i32
        %dma_wait3A_210 = arith.constant 0 : i32
        %dma_wait3A_211 = arith.constant 0 : i32
        %dma_wait3A_212 = tpu.memref_slice %arg6[%cond3A, %dma_wait3A_209, %dma_wait3A_210, %dma_wait3A_211] : memref<2x32x8x128xf32, #tpu.memory_space<vmem>> -> memref<1x32x8x128xf32, #tpu.memory_space<vmem>>
        %dma_wait3A_213 = tpu.memref_squeeze %dma_wait3A_212 : memref<1x32x8x128xf32, #tpu.memory_space<vmem>> -> memref<32x8x128xf32, #tpu.memory_space<vmem>>
        %dma_wait3A_214 = arith.constant 0 : i32
        %dma_wait3A_215 = arith.constant 0 : i32
        %dma_wait3A_216 = tpu.memref_slice %dma_wait3A_213[%dma_wait3A_195, %dma_wait3A_214, %dma_wait3A_215] : memref<32x8x128xf32, #tpu.memory_space<vmem>> -> memref<1x8x128xf32, #tpu.memory_space<vmem>>
        %dma_wait3A_217 = tpu.memref_squeeze %dma_wait3A_216 : memref<1x8x128xf32, #tpu.memory_space<vmem>> -> memref<8x128xf32, #tpu.memory_space<vmem>>
        %dma_wait3A_218 = arith.constant 0 : i32
        %dma_wait3A_219 = arith.constant 0 : i32
        %dma_wait3A_220 = tpu.memref_slice %arg4[%dma_wait3A_192, %dma_wait3A_193, %dma_wait3A_194, %dma_wait3A_218, %dma_wait3A_219] : memref<20x26x32x8x128xf32, #tpu.memory_space<hbm>> -> memref<1x1x1x8x128xf32, #tpu.memory_space<hbm>>
        %dma_wait3A_221 = tpu.memref_squeeze %dma_wait3A_220 : memref<1x1x1x8x128xf32, #tpu.memory_space<hbm>> -> memref<8x128xf32, #tpu.memory_space<hbm>>
        tpu.wait_dma2 semaphore(%arg7 : memref<!tpu.dma_semaphore, #tpu.memory_space<semaphore_mem>>) src(%dma_wait3A_221 : memref<8x128xf32, #tpu.memory_space<hbm>>) dst(%dma_wait3A_217 : memref<8x128xf32, #tpu.memory_space<vmem>>)
        %dma_start3A = arith.constant 0 : i32
        %dma_start3A_222 = arith.constant 0 : i32
        %dma_start3A_223 = arith.constant 0 : i32
        %dma_start3A_224 = tpu.memref_slice %arg6[%cond3A, %dma_start3A, %dma_start3A_222, %dma_start3A_223] : memref<2x32x8x128xf32, #tpu.memory_space<vmem>> -> memref<1x32x8x128xf32, #tpu.memory_space<vmem>>
        %dma_start3A_225 = tpu.memref_squeeze %dma_start3A_224 : memref<1x32x8x128xf32, #tpu.memory_space<vmem>> -> memref<32x8x128xf32, #tpu.memory_space<vmem>>
        %dma_start3A_226 = arith.constant 0 : i32
        %dma_start3A_227 = arith.constant 0 : i32
        %dma_start3A_228 = arith.constant 0 : i32
        %dma_start3A_229 = tpu.memref_slice %arg4[%select_n3A, %sub3A_92, %dma_start3A_226, %dma_start3A_227, %dma_start3A_228] : memref<20x26x32x8x128xf32, #tpu.memory_space<hbm>> -> memref<1x1x32x8x128xf32, #tpu.memory_space<hbm>>
        %dma_start3A_230 = tpu.memref_squeeze %dma_start3A_229 : memref<1x1x32x8x128xf32, #tpu.memory_space<hbm>> -> memref<32x8x128xf32, #tpu.memory_space<hbm>>
        %dma_start3A_231 = arith.constant 0 : i32
        %dma_start3A_232 = arith.constant 0 : i32
        %dma_start3A_233 = arith.constant 0 : i32
        %dma_start3A_234 = tpu.memref_slice %arg4[%select_n3A, %sub3A_92, %dma_start3A_231, %dma_start3A_232, %dma_start3A_233] : memref<20x26x32x8x128xf32, #tpu.memory_space<hbm>> -> memref<1x1x32x8x128xf32, #tpu.memory_space<hbm>>
        %dma_start3A_235 = tpu.memref_squeeze %dma_start3A_234 : memref<1x1x32x8x128xf32, #tpu.memory_space<hbm>> -> memref<32x8x128xf32, #tpu.memory_space<hbm>>
        %dma_start3A_236 = arith.constant 0 : i32
        %dma_start3A_237 = arith.constant 0 : i32
        %dma_start3A_238 = arith.constant 0 : i32
        %dma_start3A_239 = tpu.memref_slice %arg6[%cond3A, %dma_start3A_236, %dma_start3A_237, %dma_start3A_238] : memref<2x32x8x128xf32, #tpu.memory_space<vmem>> -> memref<1x32x8x128xf32, #tpu.memory_space<vmem>>
        %dma_start3A_240 = tpu.memref_squeeze %dma_start3A_239 : memref<1x32x8x128xf32, #tpu.memory_space<vmem>> -> memref<32x8x128xf32, #tpu.memory_space<vmem>>
        tpu.enqueue_dma source(%dma_start3A_240 : memref<32x8x128xf32, #tpu.memory_space<vmem>>) target(%dma_start3A_235 : memref<32x8x128xf32, #tpu.memory_space<hbm>>) target_semaphore(%arg8 : memref<!tpu.dma_semaphore, #tpu.memory_space<semaphore_mem>>)
      } else {
      }
      %mul3A_60 = arith.constant 2 : i32
      %mul3A_61 = arith.muli %mul3A_60, %scan3A_50 : i32
      %add3A_62 = arith.constant 1 : i32
      %add3A_63 = arith.addi %mul3A_61, %add3A_62 : i32
      %mul3A_64 = arith.constant 32 : i32
      %mul3A_65 = arith.muli %mul3A_64, %add3A_63 : i32
      %add3A_66 = arith.addi %add3A, %mul3A_65 : i32
      %lt3A_67 = arith.constant 520 : i32
      %lt3A_68 = arith.cmpi slt, %add3A_66, %lt3A_67 : i32
      %convert_element_type3A_69 = arith.extui %lt3A_68 : i1 to i32
      %cond3A_70 = arith.constant 1 : i32
      %cond3A_71 = arith.constant 1 : i32
      %cond3A_72 = arith.constant 0 : i32
      %cond3A_73 = arith.cmpi ne, %convert_element_type3A_69, %cond3A_72 : i32
      scf.if %cond3A_73 {
        %jit3A = arith.constant 26 : i32
        %div3A = arith.divsi %add3A_66, %jit3A : i32
        %sign3A = arith.constant 0 : i32
        %sign3A_74 = arith.cmpi sgt, %add3A_66, %sign3A : i32
        %sign3A_75 = arith.extui %sign3A_74 : i1 to i32
        %sign3A_76 = arith.constant 0 : i32
        %sign3A_77 = arith.cmpi slt, %add3A_66, %sign3A_76 : i32
        %sign3A_78 = arith.extui %sign3A_77 : i1 to i32
        %sign3A_79 = arith.subi %sign3A_75, %sign3A_78 : i32
        %sign3A_80 = arith.constant 0 : i32
        %sign3A_81 = arith.cmpi sgt, %jit3A, %sign3A_80 : i32
        %sign3A_82 = arith.extui %sign3A_81 : i1 to i32
        %sign3A_83 = arith.constant 0 : i32
        %sign3A_84 = arith.cmpi slt, %jit3A, %sign3A_83 : i32
        %sign3A_85 = arith.extui %sign3A_84 : i1 to i32
        %sign3A_86 = arith.subi %sign3A_82, %sign3A_85 : i32
        %ne3A = arith.cmpi ne, %sign3A_79, %sign3A_86 : i32
        %rem3A = arith.remsi %add3A_66, %jit3A : i32
        %ne3A_87 = arith.constant 0 : i32
        %ne3A_88 = arith.cmpi ne, %rem3A, %ne3A_87 : i32
        %and3A = arith.andi %ne3A, %ne3A_88 : i1
        %sub3A = arith.constant 1 : i32
        %sub3A_89 = arith.subi %div3A, %sub3A : i32
        %select_n3A = arith.select %and3A, %sub3A_89, %div3A : i32
        %mul3A_90 = arith.constant 26 : i32
        %mul3A_91 = arith.muli %select_n3A, %mul3A_90 : i32
        %sub3A_92 = arith.subi %add3A_66, %mul3A_91 : i32
        %ge3A = arith.constant 2 : i32
        %ge3A_93 = arith.cmpi sge, %add3A_63, %ge3A : i32
        %convert_element_type3A_94 = arith.extui %ge3A_93 : i1 to i32
        %cond3A_95 = arith.constant 0 : i32
        %cond3A_96 = arith.cmpi ne, %convert_element_type3A_94, %cond3A_95 : i32
        scf.if %cond3A_96 {
          %dma_wait3A_241 = arith.constant 0 : i32
          %dma_wait3A_242 = arith.constant 0 : i32
          %dma_wait3A_243 = arith.constant 0 : i32
          %dma_wait3A_244 = arith.constant 0 : i32
          %dma_wait3A_245 = arith.constant 0 : i32
          %dma_wait3A_246 = tpu.memref_slice %arg6[%cond3A_70, %dma_wait3A_243, %dma_wait3A_244, %dma_wait3A_245] : memref<2x32x8x128xf32, #tpu.memory_space<vmem>> -> memref<1x32x8x128xf32, #tpu.memory_space<vmem>>
          %dma_wait3A_247 = tpu.memref_squeeze %dma_wait3A_246 : memref<1x32x8x128xf32, #tpu.memory_space<vmem>> -> memref<32x8x128xf32, #tpu.memory_space<vmem>>
          %dma_wait3A_248 = arith.constant 0 : i32
          %dma_wait3A_249 = arith.constant 0 : i32
          %dma_wait3A_250 = arith.constant 0 : i32
          %dma_wait3A_251 = tpu.memref_slice %arg4[%dma_wait3A_241, %dma_wait3A_242, %dma_wait3A_248, %dma_wait3A_249, %dma_wait3A_250] : memref<20x26x32x8x128xf32, #tpu.memory_space<hbm>> -> memref<1x1x32x8x128xf32, #tpu.memory_space<hbm>>
          %dma_wait3A_252 = tpu.memref_squeeze %dma_wait3A_251 : memref<1x1x32x8x128xf32, #tpu.memory_space<hbm>> -> memref<32x8x128xf32, #tpu.memory_space<hbm>>
          %dma_wait3A_253 = arith.constant 0 : i32
          %dma_wait3A_254 = arith.constant 0 : i32
          %dma_wait3A_255 = arith.constant 0 : i32
          %dma_wait3A_256 = tpu.memref_slice %arg4[%dma_wait3A_241, %dma_wait3A_242, %dma_wait3A_253, %dma_wait3A_254, %dma_wait3A_255] : memref<20x26x32x8x128xf32, #tpu.memory_space<hbm>> -> memref<1x1x32x8x128xf32, #tpu.memory_space<hbm>>
          %dma_wait3A_257 = tpu.memref_squeeze %dma_wait3A_256 : memref<1x1x32x8x128xf32, #tpu.memory_space<hbm>> -> memref<32x8x128xf32, #tpu.memory_space<hbm>>
          %dma_wait3A_258 = arith.constant 0 : i32
          %dma_wait3A_259 = arith.constant 0 : i32
          %dma_wait3A_260 = arith.constant 0 : i32
          %dma_wait3A_261 = tpu.memref_slice %arg6[%cond3A_70, %dma_wait3A_258, %dma_wait3A_259, %dma_wait3A_260] : memref<2x32x8x128xf32, #tpu.memory_space<vmem>> -> memref<1x32x8x128xf32, #tpu.memory_space<vmem>>
          %dma_wait3A_262 = tpu.memref_squeeze %dma_wait3A_261 : memref<1x32x8x128xf32, #tpu.memory_space<vmem>> -> memref<32x8x128xf32, #tpu.memory_space<vmem>>
          tpu.wait_dma2 semaphore(%arg8 : memref<!tpu.dma_semaphore, #tpu.memory_space<semaphore_mem>>) src(%dma_wait3A_262 : memref<32x8x128xf32, #tpu.memory_space<vmem>>) dst(%dma_wait3A_257 : memref<32x8x128xf32, #tpu.memory_space<hbm>>)
        } else {
        }
        "tpu.region"() ({
          %run_scoped3A = tpu.sem_alloc : memref<!tpu.dma_semaphore, #tpu.memory_space<semaphore_mem>>
          %dma_start3A_241 = arith.constant 0 : i32
          %dma_start3A_242 = arith.constant 0 : i32
          %dma_start3A_243 = tpu.memref_slice %arg5[%cond3A_71, %dma_start3A_241, %dma_start3A_242] : memref<2x8x128xi32, #tpu.memory_space<vmem>> -> memref<1x8x128xi32, #tpu.memory_space<vmem>>
          %dma_start3A_244 = tpu.memref_squeeze %dma_start3A_243 : memref<1x8x128xi32, #tpu.memory_space<vmem>> -> memref<8x128xi32, #tpu.memory_space<vmem>>
          %dma_start3A_245 = arith.constant 0 : i32
          %dma_start3A_246 = arith.constant 0 : i32
          %dma_start3A_247 = tpu.memref_slice %arg2[%sub3A_92, %select_n3A, %dma_start3A_245, %dma_start3A_246] : memref<26x20x8x128xi32, #tpu.memory_space<hbm>> -> memref<1x1x8x128xi32, #tpu.memory_space<hbm>>
          %dma_start3A_248 = tpu.memref_squeeze %dma_start3A_247 : memref<1x1x8x128xi32, #tpu.memory_space<hbm>> -> memref<8x128xi32, #tpu.memory_space<hbm>>
          %dma_start3A_249 = arith.constant 0 : i32
          %dma_start3A_250 = arith.constant 0 : i32
          %dma_start3A_251 = tpu.memref_slice %arg5[%cond3A_71, %dma_start3A_249, %dma_start3A_250] : memref<2x8x128xi32, #tpu.memory_space<vmem>> -> memref<1x8x128xi32, #tpu.memory_space<vmem>>
          %dma_start3A_252 = tpu.memref_squeeze %dma_start3A_251 : memref<1x8x128xi32, #tpu.memory_space<vmem>> -> memref<8x128xi32, #tpu.memory_space<vmem>>
          %dma_start3A_253 = arith.constant 0 : i32
          %dma_start3A_254 = arith.constant 0 : i32
          %dma_start3A_255 = tpu.memref_slice %arg2[%sub3A_92, %select_n3A, %dma_start3A_253, %dma_start3A_254] : memref<26x20x8x128xi32, #tpu.memory_space<hbm>> -> memref<1x1x8x128xi32, #tpu.memory_space<hbm>>
          %dma_start3A_256 = tpu.memref_squeeze %dma_start3A_255 : memref<1x1x8x128xi32, #tpu.memory_space<hbm>> -> memref<8x128xi32, #tpu.memory_space<hbm>>
          tpu.enqueue_dma source(%dma_start3A_256 : memref<8x128xi32, #tpu.memory_space<hbm>>) target(%dma_start3A_252 : memref<8x128xi32, #tpu.memory_space<vmem>>) target_semaphore(%run_scoped3A : memref<!tpu.dma_semaphore, #tpu.memory_space<semaphore_mem>>)
          %dma_wait3A_257 = arith.constant 0 : i32
          %dma_wait3A_258 = arith.constant 0 : i32
          %dma_wait3A_259 = tpu.memref_slice %arg5[%cond3A_71, %dma_wait3A_257, %dma_wait3A_258] : memref<2x8x128xi32, #tpu.memory_space<vmem>> -> memref<1x8x128xi32, #tpu.memory_space<vmem>>
          %dma_wait3A_260 = tpu.memref_squeeze %dma_wait3A_259 : memref<1x8x128xi32, #tpu.memory_space<vmem>> -> memref<8x128xi32, #tpu.memory_space<vmem>>
          %dma_wait3A_261 = arith.constant 0 : i32
          %dma_wait3A_262 = arith.constant 0 : i32
          %dma_wait3A_263 = tpu.memref_slice %arg2[%sub3A_92, %select_n3A, %dma_wait3A_261, %dma_wait3A_262] : memref<26x20x8x128xi32, #tpu.memory_space<hbm>> -> memref<1x1x8x128xi32, #tpu.memory_space<hbm>>
          %dma_wait3A_264 = tpu.memref_squeeze %dma_wait3A_263 : memref<1x1x8x128xi32, #tpu.memory_space<hbm>> -> memref<8x128xi32, #tpu.memory_space<hbm>>
          %dma_wait3A_265 = arith.constant 0 : i32
          %dma_wait3A_266 = arith.constant 0 : i32
          %dma_wait3A_267 = tpu.memref_slice %arg5[%cond3A_71, %dma_wait3A_265, %dma_wait3A_266] : memref<2x8x128xi32, #tpu.memory_space<vmem>> -> memref<1x8x128xi32, #tpu.memory_space<vmem>>
          %dma_wait3A_268 = tpu.memref_squeeze %dma_wait3A_267 : memref<1x8x128xi32, #tpu.memory_space<vmem>> -> memref<8x128xi32, #tpu.memory_space<vmem>>
          %dma_wait3A_269 = arith.constant 0 : i32
          %dma_wait3A_270 = arith.constant 0 : i32
          %dma_wait3A_271 = tpu.memref_slice %arg2[%sub3A_92, %select_n3A, %dma_wait3A_269, %dma_wait3A_270] : memref<26x20x8x128xi32, #tpu.memory_space<hbm>> -> memref<1x1x8x128xi32, #tpu.memory_space<hbm>>
          %dma_wait3A_272 = tpu.memref_squeeze %dma_wait3A_271 : memref<1x1x8x128xi32, #tpu.memory_space<hbm>> -> memref<8x128xi32, #tpu.memory_space<hbm>>
          tpu.wait_dma2 semaphore(%run_scoped3A : memref<!tpu.dma_semaphore, #tpu.memory_space<semaphore_mem>>) src(%dma_wait3A_272 : memref<8x128xi32, #tpu.memory_space<hbm>>) dst(%dma_wait3A_268 : memref<8x128xi32, #tpu.memory_space<vmem>>)
          tpu.yield
        }) : () -> ()
        %scan3A_97 = arith.constant 0 : i32
        %scan3A_98 = arith.constant 32 : i32
        %scan3A_99 = arith.addi %scan3A_97, %scan3A_98 : i32
        %scan3A_100 = arith.constant 1 : i32
        scf.for %scan3A_241 = %scan3A_97 to %scan3A_99 step %scan3A_100  : i32 {
          %dma_start3A_242 = arith.constant 0 : i32
          %dma_start3A_243 = arith.constant 0 : i32
          %dma_start3A_244 = arith.constant 0 : i32
          %dma_start3A_245 = arith.constant 0 : i32
          %dma_start3A_246 = arith.constant 0 : i32
          %dma_start3A_247 = tpu.memref_slice %arg6[%cond3A_70, %dma_start3A_244, %dma_start3A_245, %dma_start3A_246] : memref<2x32x8x128xf32, #tpu.memory_space<vmem>> -> memref<1x32x8x128xf32, #tpu.memory_space<vmem>>
          %dma_start3A_248 = tpu.memref_squeeze %dma_start3A_247 : memref<1x32x8x128xf32, #tpu.memory_space<vmem>> -> memref<32x8x128xf32, #tpu.memory_space<vmem>>
          %dma_start3A_249 = arith.constant 0 : i32
          %dma_start3A_250 = tpu.memref_slice %dma_start3A_248[%scan3A_241, %dma_start3A_243, %dma_start3A_249] : memref<32x8x128xf32, #tpu.memory_space<vmem>> -> memref<1x1x128xf32, #tpu.memory_space<vmem>>
          %dma_start3A_251 = tpu.memref_squeeze %dma_start3A_250 : memref<1x1x128xf32, #tpu.memory_space<vmem>> -> memref<128xf32, #tpu.memory_space<vmem>>
          %dma_start3A_252 = arith.constant 0 : i32
          %dma_start3A_253 = arith.constant 0 : i32
          %dma_start3A_254 = tpu.memref_slice %arg5[%cond3A_71, %dma_start3A_252, %dma_start3A_253] : memref<2x8x128xi32, #tpu.memory_space<vmem>> -> memref<1x8x128xi32, #tpu.memory_space<vmem>>
          %dma_start3A_255 = tpu.memref_squeeze %dma_start3A_254 : memref<1x8x128xi32, #tpu.memory_space<vmem>> -> memref<8x128xi32, #tpu.memory_space<vmem>>
          %dma_start3A_256 = arith.constant 0 : i32
          %dma_start3A_257 = tpu.memref_slice %dma_start3A_255[%dma_start3A_242, %dma_start3A_256] : memref<8x128xi32, #tpu.memory_space<vmem>> -> memref<1x128xi32, #tpu.memory_space<vmem>>
          %dma_start3A_258 = tpu.memref_squeeze %dma_start3A_257 : memref<1x128xi32, #tpu.memory_space<vmem>> -> memref<128xi32, #tpu.memory_space<vmem>>
          %dma_start3A_259 = arith.constant 0 : i32
          %dma_start3A_260 = tpu.memref_slice %arg3[%sub3A_92, %scan3A_241, %dma_start3A_259] : memref<26x32x100000xf32, #tpu.memory_space<hbm>> -> memref<1x1x100000xf32, #tpu.memory_space<hbm>>
          %dma_start3A_261 = tpu.memref_squeeze %dma_start3A_260 : memref<1x1x100000xf32, #tpu.memory_space<hbm>> -> memref<100000xf32, #tpu.memory_space<hbm>>
          %dma_start3A_262 = arith.constant 0 : i32
          %dma_start3A_263 = tpu.memref_slice %dma_start3A_261[%dma_start3A_262] : memref<100000xf32, #tpu.memory_space<hbm>> -> memref<100000xf32, #tpu.memory_space<hbm>>
          tpu.enqueue_indirect_dma source(%dma_start3A_263 : memref<100000xf32, #tpu.memory_space<hbm>>) target(%dma_start3A_251 : memref<128xf32, #tpu.memory_space<vmem>>) offsets(%dma_start3A_258 : memref<128xi32, #tpu.memory_space<vmem>>) semaphore(%arg7 : memref<!tpu.dma_semaphore, #tpu.memory_space<semaphore_mem>>)
          %dma_start3A_264 = arith.constant 1 : i32
          %dma_start3A_265 = arith.constant 1 : i32
          %dma_start3A_266 = arith.constant 0 : i32
          %dma_start3A_267 = arith.constant 0 : i32
          %dma_start3A_268 = arith.constant 0 : i32
          %dma_start3A_269 = tpu.memref_slice %arg6[%cond3A_70, %dma_start3A_266, %dma_start3A_267, %dma_start3A_268] : memref<2x32x8x128xf32, #tpu.memory_space<vmem>> -> memref<1x32x8x128xf32, #tpu.memory_space<vmem>>
          %dma_start3A_270 = tpu.memref_squeeze %dma_start3A_269 : memref<1x32x8x128xf32, #tpu.memory_space<vmem>> -> memref<32x8x128xf32, #tpu.memory_space<vmem>>
          %dma_start3A_271 = arith.constant 0 : i32
          %dma_start3A_272 = tpu.memref_slice %dma_start3A_270[%scan3A_241, %dma_start3A_265, %dma_start3A_271] : memref<32x8x128xf32, #tpu.memory_space<vmem>> -> memref<1x1x128xf32, #tpu.memory_space<vmem>>
          %dma_start3A_273 = tpu.memref_squeeze %dma_start3A_272 : memref<1x1x128xf32, #tpu.memory_space<vmem>> -> memref<128xf32, #tpu.memory_space<vmem>>
          %dma_start3A_274 = arith.constant 0 : i32
          %dma_start3A_275 = arith.constant 0 : i32
          %dma_start3A_276 = tpu.memref_slice %arg5[%cond3A_71, %dma_start3A_274, %dma_start3A_275] : memref<2x8x128xi32, #tpu.memory_space<vmem>> -> memref<1x8x128xi32, #tpu.memory_space<vmem>>
          %dma_start3A_277 = tpu.memref_squeeze %dma_start3A_276 : memref<1x8x128xi32, #tpu.memory_space<vmem>> -> memref<8x128xi32, #tpu.memory_space<vmem>>
          %dma_start3A_278 = arith.constant 0 : i32
          %dma_start3A_279 = tpu.memref_slice %dma_start3A_277[%dma_start3A_264, %dma_start3A_278] : memref<8x128xi32, #tpu.memory_space<vmem>> -> memref<1x128xi32, #tpu.memory_space<vmem>>
          %dma_start3A_280 = tpu.memref_squeeze %dma_start3A_279 : memref<1x128xi32, #tpu.memory_space<vmem>> -> memref<128xi32, #tpu.memory_space<vmem>>
          %dma_start3A_281 = arith.constant 0 : i32
          %dma_start3A_282 = tpu.memref_slice %arg3[%sub3A_92, %scan3A_241, %dma_start3A_281] : memref<26x32x100000xf32, #tpu.memory_space<hbm>> -> memref<1x1x100000xf32, #tpu.memory_space<hbm>>
          %dma_start3A_283 = tpu.memref_squeeze %dma_start3A_282 : memref<1x1x100000xf32, #tpu.memory_space<hbm>> -> memref<100000xf32, #tpu.memory_space<hbm>>
          %dma_start3A_284 = arith.constant 0 : i32
          %dma_start3A_285 = tpu.memref_slice %dma_start3A_283[%dma_start3A_284] : memref<100000xf32, #tpu.memory_space<hbm>> -> memref<100000xf32, #tpu.memory_space<hbm>>
          tpu.enqueue_indirect_dma source(%dma_start3A_285 : memref<100000xf32, #tpu.memory_space<hbm>>) target(%dma_start3A_273 : memref<128xf32, #tpu.memory_space<vmem>>) offsets(%dma_start3A_280 : memref<128xi32, #tpu.memory_space<vmem>>) semaphore(%arg7 : memref<!tpu.dma_semaphore, #tpu.memory_space<semaphore_mem>>)
          %dma_start3A_286 = arith.constant 2 : i32
          %dma_start3A_287 = arith.constant 2 : i32
          %dma_start3A_288 = arith.constant 0 : i32
          %dma_start3A_289 = arith.constant 0 : i32
          %dma_start3A_290 = arith.constant 0 : i32
          %dma_start3A_291 = tpu.memref_slice %arg6[%cond3A_70, %dma_start3A_288, %dma_start3A_289, %dma_start3A_290] : memref<2x32x8x128xf32, #tpu.memory_space<vmem>> -> memref<1x32x8x128xf32, #tpu.memory_space<vmem>>
          %dma_start3A_292 = tpu.memref_squeeze %dma_start3A_291 : memref<1x32x8x128xf32, #tpu.memory_space<vmem>> -> memref<32x8x128xf32, #tpu.memory_space<vmem>>
          %dma_start3A_293 = arith.constant 0 : i32
          %dma_start3A_294 = tpu.memref_slice %dma_start3A_292[%scan3A_241, %dma_start3A_287, %dma_start3A_293] : memref<32x8x128xf32, #tpu.memory_space<vmem>> -> memref<1x1x128xf32, #tpu.memory_space<vmem>>
          %dma_start3A_295 = tpu.memref_squeeze %dma_start3A_294 : memref<1x1x128xf32, #tpu.memory_space<vmem>> -> memref<128xf32, #tpu.memory_space<vmem>>
          %dma_start3A_296 = arith.constant 0 : i32
          %dma_start3A_297 = arith.constant 0 : i32
          %dma_start3A_298 = tpu.memref_slice %arg5[%cond3A_71, %dma_start3A_296, %dma_start3A_297] : memref<2x8x128xi32, #tpu.memory_space<vmem>> -> memref<1x8x128xi32, #tpu.memory_space<vmem>>
          %dma_start3A_299 = tpu.memref_squeeze %dma_start3A_298 : memref<1x8x128xi32, #tpu.memory_space<vmem>> -> memref<8x128xi32, #tpu.memory_space<vmem>>
          %dma_start3A_300 = arith.constant 0 : i32
          %dma_start3A_301 = tpu.memref_slice %dma_start3A_299[%dma_start3A_286, %dma_start3A_300] : memref<8x128xi32, #tpu.memory_space<vmem>> -> memref<1x128xi32, #tpu.memory_space<vmem>>
          %dma_start3A_302 = tpu.memref_squeeze %dma_start3A_301 : memref<1x128xi32, #tpu.memory_space<vmem>> -> memref<128xi32, #tpu.memory_space<vmem>>
          %dma_start3A_303 = arith.constant 0 : i32
          %dma_start3A_304 = tpu.memref_slice %arg3[%sub3A_92, %scan3A_241, %dma_start3A_303] : memref<26x32x100000xf32, #tpu.memory_space<hbm>> -> memref<1x1x100000xf32, #tpu.memory_space<hbm>>
          %dma_start3A_305 = tpu.memref_squeeze %dma_start3A_304 : memref<1x1x100000xf32, #tpu.memory_space<hbm>> -> memref<100000xf32, #tpu.memory_space<hbm>>
          %dma_start3A_306 = arith.constant 0 : i32
          %dma_start3A_307 = tpu.memref_slice %dma_start3A_305[%dma_start3A_306] : memref<100000xf32, #tpu.memory_space<hbm>> -> memref<100000xf32, #tpu.memory_space<hbm>>
          tpu.enqueue_indirect_dma source(%dma_start3A_307 : memref<100000xf32, #tpu.memory_space<hbm>>) target(%dma_start3A_295 : memref<128xf32, #tpu.memory_space<vmem>>) offsets(%dma_start3A_302 : memref<128xi32, #tpu.memory_space<vmem>>) semaphore(%arg7 : memref<!tpu.dma_semaphore, #tpu.memory_space<semaphore_mem>>)
          %dma_start3A_308 = arith.constant 3 : i32
          %dma_start3A_309 = arith.constant 3 : i32
          %dma_start3A_310 = arith.constant 0 : i32
          %dma_start3A_311 = arith.constant 0 : i32
          %dma_start3A_312 = arith.constant 0 : i32
          %dma_start3A_313 = tpu.memref_slice %arg6[%cond3A_70, %dma_start3A_310, %dma_start3A_311, %dma_start3A_312] : memref<2x32x8x128xf32, #tpu.memory_space<vmem>> -> memref<1x32x8x128xf32, #tpu.memory_space<vmem>>
          %dma_start3A_314 = tpu.memref_squeeze %dma_start3A_313 : memref<1x32x8x128xf32, #tpu.memory_space<vmem>> -> memref<32x8x128xf32, #tpu.memory_space<vmem>>
          %dma_start3A_315 = arith.constant 0 : i32
          %dma_start3A_316 = tpu.memref_slice %dma_start3A_314[%scan3A_241, %dma_start3A_309, %dma_start3A_315] : memref<32x8x128xf32, #tpu.memory_space<vmem>> -> memref<1x1x128xf32, #tpu.memory_space<vmem>>
          %dma_start3A_317 = tpu.memref_squeeze %dma_start3A_316 : memref<1x1x128xf32, #tpu.memory_space<vmem>> -> memref<128xf32, #tpu.memory_space<vmem>>
          %dma_start3A_318 = arith.constant 0 : i32
          %dma_start3A_319 = arith.constant 0 : i32
          %dma_start3A_320 = tpu.memref_slice %arg5[%cond3A_71, %dma_start3A_318, %dma_start3A_319] : memref<2x8x128xi32, #tpu.memory_space<vmem>> -> memref<1x8x128xi32, #tpu.memory_space<vmem>>
          %dma_start3A_321 = tpu.memref_squeeze %dma_start3A_320 : memref<1x8x128xi32, #tpu.memory_space<vmem>> -> memref<8x128xi32, #tpu.memory_space<vmem>>
          %dma_start3A_322 = arith.constant 0 : i32
          %dma_start3A_323 = tpu.memref_slice %dma_start3A_321[%dma_start3A_308, %dma_start3A_322] : memref<8x128xi32, #tpu.memory_space<vmem>> -> memref<1x128xi32, #tpu.memory_space<vmem>>
          %dma_start3A_324 = tpu.memref_squeeze %dma_start3A_323 : memref<1x128xi32, #tpu.memory_space<vmem>> -> memref<128xi32, #tpu.memory_space<vmem>>
          %dma_start3A_325 = arith.constant 0 : i32
          %dma_start3A_326 = tpu.memref_slice %arg3[%sub3A_92, %scan3A_241, %dma_start3A_325] : memref<26x32x100000xf32, #tpu.memory_space<hbm>> -> memref<1x1x100000xf32, #tpu.memory_space<hbm>>
          %dma_start3A_327 = tpu.memref_squeeze %dma_start3A_326 : memref<1x1x100000xf32, #tpu.memory_space<hbm>> -> memref<100000xf32, #tpu.memory_space<hbm>>
          %dma_start3A_328 = arith.constant 0 : i32
          %dma_start3A_329 = tpu.memref_slice %dma_start3A_327[%dma_start3A_328] : memref<100000xf32, #tpu.memory_space<hbm>> -> memref<100000xf32, #tpu.memory_space<hbm>>
          tpu.enqueue_indirect_dma source(%dma_start3A_329 : memref<100000xf32, #tpu.memory_space<hbm>>) target(%dma_start3A_317 : memref<128xf32, #tpu.memory_space<vmem>>) offsets(%dma_start3A_324 : memref<128xi32, #tpu.memory_space<vmem>>) semaphore(%arg7 : memref<!tpu.dma_semaphore, #tpu.memory_space<semaphore_mem>>)
          %dma_start3A_330 = arith.constant 4 : i32
          %dma_start3A_331 = arith.constant 4 : i32
          %dma_start3A_332 = arith.constant 0 : i32
          %dma_start3A_333 = arith.constant 0 : i32
          %dma_start3A_334 = arith.constant 0 : i32
          %dma_start3A_335 = tpu.memref_slice %arg6[%cond3A_70, %dma_start3A_332, %dma_start3A_333, %dma_start3A_334] : memref<2x32x8x128xf32, #tpu.memory_space<vmem>> -> memref<1x32x8x128xf32, #tpu.memory_space<vmem>>
          %dma_start3A_336 = tpu.memref_squeeze %dma_start3A_335 : memref<1x32x8x128xf32, #tpu.memory_space<vmem>> -> memref<32x8x128xf32, #tpu.memory_space<vmem>>
          %dma_start3A_337 = arith.constant 0 : i32
          %dma_start3A_338 = tpu.memref_slice %dma_start3A_336[%scan3A_241, %dma_start3A_331, %dma_start3A_337] : memref<32x8x128xf32, #tpu.memory_space<vmem>> -> memref<1x1x128xf32, #tpu.memory_space<vmem>>
          %dma_start3A_339 = tpu.memref_squeeze %dma_start3A_338 : memref<1x1x128xf32, #tpu.memory_space<vmem>> -> memref<128xf32, #tpu.memory_space<vmem>>
          %dma_start3A_340 = arith.constant 0 : i32
          %dma_start3A_341 = arith.constant 0 : i32
          %dma_start3A_342 = tpu.memref_slice %arg5[%cond3A_71, %dma_start3A_340, %dma_start3A_341] : memref<2x8x128xi32, #tpu.memory_space<vmem>> -> memref<1x8x128xi32, #tpu.memory_space<vmem>>
          %dma_start3A_343 = tpu.memref_squeeze %dma_start3A_342 : memref<1x8x128xi32, #tpu.memory_space<vmem>> -> memref<8x128xi32, #tpu.memory_space<vmem>>
          %dma_start3A_344 = arith.constant 0 : i32
          %dma_start3A_345 = tpu.memref_slice %dma_start3A_343[%dma_start3A_330, %dma_start3A_344] : memref<8x128xi32, #tpu.memory_space<vmem>> -> memref<1x128xi32, #tpu.memory_space<vmem>>
          %dma_start3A_346 = tpu.memref_squeeze %dma_start3A_345 : memref<1x128xi32, #tpu.memory_space<vmem>> -> memref<128xi32, #tpu.memory_space<vmem>>
          %dma_start3A_347 = arith.constant 0 : i32
          %dma_start3A_348 = tpu.memref_slice %arg3[%sub3A_92, %scan3A_241, %dma_start3A_347] : memref<26x32x100000xf32, #tpu.memory_space<hbm>> -> memref<1x1x100000xf32, #tpu.memory_space<hbm>>
          %dma_start3A_349 = tpu.memref_squeeze %dma_start3A_348 : memref<1x1x100000xf32, #tpu.memory_space<hbm>> -> memref<100000xf32, #tpu.memory_space<hbm>>
          %dma_start3A_350 = arith.constant 0 : i32
          %dma_start3A_351 = tpu.memref_slice %dma_start3A_349[%dma_start3A_350] : memref<100000xf32, #tpu.memory_space<hbm>> -> memref<100000xf32, #tpu.memory_space<hbm>>
          tpu.enqueue_indirect_dma source(%dma_start3A_351 : memref<100000xf32, #tpu.memory_space<hbm>>) target(%dma_start3A_339 : memref<128xf32, #tpu.memory_space<vmem>>) offsets(%dma_start3A_346 : memref<128xi32, #tpu.memory_space<vmem>>) semaphore(%arg7 : memref<!tpu.dma_semaphore, #tpu.memory_space<semaphore_mem>>)
          %dma_start3A_352 = arith.constant 5 : i32
          %dma_start3A_353 = arith.constant 5 : i32
          %dma_start3A_354 = arith.constant 0 : i32
          %dma_start3A_355 = arith.constant 0 : i32
          %dma_start3A_356 = arith.constant 0 : i32
          %dma_start3A_357 = tpu.memref_slice %arg6[%cond3A_70, %dma_start3A_354, %dma_start3A_355, %dma_start3A_356] : memref<2x32x8x128xf32, #tpu.memory_space<vmem>> -> memref<1x32x8x128xf32, #tpu.memory_space<vmem>>
          %dma_start3A_358 = tpu.memref_squeeze %dma_start3A_357 : memref<1x32x8x128xf32, #tpu.memory_space<vmem>> -> memref<32x8x128xf32, #tpu.memory_space<vmem>>
          %dma_start3A_359 = arith.constant 0 : i32
          %dma_start3A_360 = tpu.memref_slice %dma_start3A_358[%scan3A_241, %dma_start3A_353, %dma_start3A_359] : memref<32x8x128xf32, #tpu.memory_space<vmem>> -> memref<1x1x128xf32, #tpu.memory_space<vmem>>
          %dma_start3A_361 = tpu.memref_squeeze %dma_start3A_360 : memref<1x1x128xf32, #tpu.memory_space<vmem>> -> memref<128xf32, #tpu.memory_space<vmem>>
          %dma_start3A_362 = arith.constant 0 : i32
          %dma_start3A_363 = arith.constant 0 : i32
          %dma_start3A_364 = tpu.memref_slice %arg5[%cond3A_71, %dma_start3A_362, %dma_start3A_363] : memref<2x8x128xi32, #tpu.memory_space<vmem>> -> memref<1x8x128xi32, #tpu.memory_space<vmem>>
          %dma_start3A_365 = tpu.memref_squeeze %dma_start3A_364 : memref<1x8x128xi32, #tpu.memory_space<vmem>> -> memref<8x128xi32, #tpu.memory_space<vmem>>
          %dma_start3A_366 = arith.constant 0 : i32
          %dma_start3A_367 = tpu.memref_slice %dma_start3A_365[%dma_start3A_352, %dma_start3A_366] : memref<8x128xi32, #tpu.memory_space<vmem>> -> memref<1x128xi32, #tpu.memory_space<vmem>>
          %dma_start3A_368 = tpu.memref_squeeze %dma_start3A_367 : memref<1x128xi32, #tpu.memory_space<vmem>> -> memref<128xi32, #tpu.memory_space<vmem>>
          %dma_start3A_369 = arith.constant 0 : i32
          %dma_start3A_370 = tpu.memref_slice %arg3[%sub3A_92, %scan3A_241, %dma_start3A_369] : memref<26x32x100000xf32, #tpu.memory_space<hbm>> -> memref<1x1x100000xf32, #tpu.memory_space<hbm>>
          %dma_start3A_371 = tpu.memref_squeeze %dma_start3A_370 : memref<1x1x100000xf32, #tpu.memory_space<hbm>> -> memref<100000xf32, #tpu.memory_space<hbm>>
          %dma_start3A_372 = arith.constant 0 : i32
          %dma_start3A_373 = tpu.memref_slice %dma_start3A_371[%dma_start3A_372] : memref<100000xf32, #tpu.memory_space<hbm>> -> memref<100000xf32, #tpu.memory_space<hbm>>
          tpu.enqueue_indirect_dma source(%dma_start3A_373 : memref<100000xf32, #tpu.memory_space<hbm>>) target(%dma_start3A_361 : memref<128xf32, #tpu.memory_space<vmem>>) offsets(%dma_start3A_368 : memref<128xi32, #tpu.memory_space<vmem>>) semaphore(%arg7 : memref<!tpu.dma_semaphore, #tpu.memory_space<semaphore_mem>>)
          %dma_start3A_374 = arith.constant 6 : i32
          %dma_start3A_375 = arith.constant 6 : i32
          %dma_start3A_376 = arith.constant 0 : i32
          %dma_start3A_377 = arith.constant 0 : i32
          %dma_start3A_378 = arith.constant 0 : i32
          %dma_start3A_379 = tpu.memref_slice %arg6[%cond3A_70, %dma_start3A_376, %dma_start3A_377, %dma_start3A_378] : memref<2x32x8x128xf32, #tpu.memory_space<vmem>> -> memref<1x32x8x128xf32, #tpu.memory_space<vmem>>
          %dma_start3A_380 = tpu.memref_squeeze %dma_start3A_379 : memref<1x32x8x128xf32, #tpu.memory_space<vmem>> -> memref<32x8x128xf32, #tpu.memory_space<vmem>>
          %dma_start3A_381 = arith.constant 0 : i32
          %dma_start3A_382 = tpu.memref_slice %dma_start3A_380[%scan3A_241, %dma_start3A_375, %dma_start3A_381] : memref<32x8x128xf32, #tpu.memory_space<vmem>> -> memref<1x1x128xf32, #tpu.memory_space<vmem>>
          %dma_start3A_383 = tpu.memref_squeeze %dma_start3A_382 : memref<1x1x128xf32, #tpu.memory_space<vmem>> -> memref<128xf32, #tpu.memory_space<vmem>>
          %dma_start3A_384 = arith.constant 0 : i32
          %dma_start3A_385 = arith.constant 0 : i32
          %dma_start3A_386 = tpu.memref_slice %arg5[%cond3A_71, %dma_start3A_384, %dma_start3A_385] : memref<2x8x128xi32, #tpu.memory_space<vmem>> -> memref<1x8x128xi32, #tpu.memory_space<vmem>>
          %dma_start3A_387 = tpu.memref_squeeze %dma_start3A_386 : memref<1x8x128xi32, #tpu.memory_space<vmem>> -> memref<8x128xi32, #tpu.memory_space<vmem>>
          %dma_start3A_388 = arith.constant 0 : i32
          %dma_start3A_389 = tpu.memref_slice %dma_start3A_387[%dma_start3A_374, %dma_start3A_388] : memref<8x128xi32, #tpu.memory_space<vmem>> -> memref<1x128xi32, #tpu.memory_space<vmem>>
          %dma_start3A_390 = tpu.memref_squeeze %dma_start3A_389 : memref<1x128xi32, #tpu.memory_space<vmem>> -> memref<128xi32, #tpu.memory_space<vmem>>
          %dma_start3A_391 = arith.constant 0 : i32
          %dma_start3A_392 = tpu.memref_slice %arg3[%sub3A_92, %scan3A_241, %dma_start3A_391] : memref<26x32x100000xf32, #tpu.memory_space<hbm>> -> memref<1x1x100000xf32, #tpu.memory_space<hbm>>
          %dma_start3A_393 = tpu.memref_squeeze %dma_start3A_392 : memref<1x1x100000xf32, #tpu.memory_space<hbm>> -> memref<100000xf32, #tpu.memory_space<hbm>>
          %dma_start3A_394 = arith.constant 0 : i32
          %dma_start3A_395 = tpu.memref_slice %dma_start3A_393[%dma_start3A_394] : memref<100000xf32, #tpu.memory_space<hbm>> -> memref<100000xf32, #tpu.memory_space<hbm>>
          tpu.enqueue_indirect_dma source(%dma_start3A_395 : memref<100000xf32, #tpu.memory_space<hbm>>) target(%dma_start3A_383 : memref<128xf32, #tpu.memory_space<vmem>>) offsets(%dma_start3A_390 : memref<128xi32, #tpu.memory_space<vmem>>) semaphore(%arg7 : memref<!tpu.dma_semaphore, #tpu.memory_space<semaphore_mem>>)
          %dma_start3A_396 = arith.constant 7 : i32
          %dma_start3A_397 = arith.constant 7 : i32
          %dma_start3A_398 = arith.constant 0 : i32
          %dma_start3A_399 = arith.constant 0 : i32
          %dma_start3A_400 = arith.constant 0 : i32
          %dma_start3A_401 = tpu.memref_slice %arg6[%cond3A_70, %dma_start3A_398, %dma_start3A_399, %dma_start3A_400] : memref<2x32x8x128xf32, #tpu.memory_space<vmem>> -> memref<1x32x8x128xf32, #tpu.memory_space<vmem>>
          %dma_start3A_402 = tpu.memref_squeeze %dma_start3A_401 : memref<1x32x8x128xf32, #tpu.memory_space<vmem>> -> memref<32x8x128xf32, #tpu.memory_space<vmem>>
          %dma_start3A_403 = arith.constant 0 : i32
          %dma_start3A_404 = tpu.memref_slice %dma_start3A_402[%scan3A_241, %dma_start3A_397, %dma_start3A_403] : memref<32x8x128xf32, #tpu.memory_space<vmem>> -> memref<1x1x128xf32, #tpu.memory_space<vmem>>
          %dma_start3A_405 = tpu.memref_squeeze %dma_start3A_404 : memref<1x1x128xf32, #tpu.memory_space<vmem>> -> memref<128xf32, #tpu.memory_space<vmem>>
          %dma_start3A_406 = arith.constant 0 : i32
          %dma_start3A_407 = arith.constant 0 : i32
          %dma_start3A_408 = tpu.memref_slice %arg5[%cond3A_71, %dma_start3A_406, %dma_start3A_407] : memref<2x8x128xi32, #tpu.memory_space<vmem>> -> memref<1x8x128xi32, #tpu.memory_space<vmem>>
          %dma_start3A_409 = tpu.memref_squeeze %dma_start3A_408 : memref<1x8x128xi32, #tpu.memory_space<vmem>> -> memref<8x128xi32, #tpu.memory_space<vmem>>
          %dma_start3A_410 = arith.constant 0 : i32
          %dma_start3A_411 = tpu.memref_slice %dma_start3A_409[%dma_start3A_396, %dma_start3A_410] : memref<8x128xi32, #tpu.memory_space<vmem>> -> memref<1x128xi32, #tpu.memory_space<vmem>>
          %dma_start3A_412 = tpu.memref_squeeze %dma_start3A_411 : memref<1x128xi32, #tpu.memory_space<vmem>> -> memref<128xi32, #tpu.memory_space<vmem>>
          %dma_start3A_413 = arith.constant 0 : i32
          %dma_start3A_414 = tpu.memref_slice %arg3[%sub3A_92, %scan3A_241, %dma_start3A_413] : memref<26x32x100000xf32, #tpu.memory_space<hbm>> -> memref<1x1x100000xf32, #tpu.memory_space<hbm>>
          %dma_start3A_415 = tpu.memref_squeeze %dma_start3A_414 : memref<1x1x100000xf32, #tpu.memory_space<hbm>> -> memref<100000xf32, #tpu.memory_space<hbm>>
          %dma_start3A_416 = arith.constant 0 : i32
          %dma_start3A_417 = tpu.memref_slice %dma_start3A_415[%dma_start3A_416] : memref<100000xf32, #tpu.memory_space<hbm>> -> memref<100000xf32, #tpu.memory_space<hbm>>
          tpu.enqueue_indirect_dma source(%dma_start3A_417 : memref<100000xf32, #tpu.memory_space<hbm>>) target(%dma_start3A_405 : memref<128xf32, #tpu.memory_space<vmem>>) offsets(%dma_start3A_412 : memref<128xi32, #tpu.memory_space<vmem>>) semaphore(%arg7 : memref<!tpu.dma_semaphore, #tpu.memory_space<semaphore_mem>>)
          %ge3A_418 = arith.constant 4 : i32
          %ge3A_419 = arith.cmpi sge, %scan3A_241, %ge3A_418 : i32
          %convert_element_type3A_420 = arith.extui %ge3A_419 : i1 to i32
          %cond3A_421 = arith.constant 0 : i32
          %cond3A_422 = arith.cmpi ne, %convert_element_type3A_420, %cond3A_421 : i32
          scf.if %cond3A_422 {
            %sub3A_423 = arith.constant 4 : i32
            %sub3A_424 = arith.subi %scan3A_241, %sub3A_423 : i32
            %dma_wait3A_425 = arith.constant 0 : i32
            %dma_wait3A_426 = arith.constant 0 : i32
            %dma_wait3A_427 = arith.constant 0 : i32
            %dma_wait3A_428 = arith.constant 0 : i32
            %dma_wait3A_429 = arith.constant 0 : i32
            %dma_wait3A_430 = arith.constant 0 : i32
            %dma_wait3A_431 = tpu.memref_slice %arg6[%cond3A_70, %dma_wait3A_428, %dma_wait3A_429, %dma_wait3A_430] : memref<2x32x8x128xf32, #tpu.memory_space<vmem>> -> memref<1x32x8x128xf32, #tpu.memory_space<vmem>>
            %dma_wait3A_432 = tpu.memref_squeeze %dma_wait3A_431 : memref<1x32x8x128xf32, #tpu.memory_space<vmem>> -> memref<32x8x128xf32, #tpu.memory_space<vmem>>
            %dma_wait3A_433 = arith.constant 0 : i32
            %dma_wait3A_434 = arith.constant 0 : i32
            %dma_wait3A_435 = tpu.memref_slice %dma_wait3A_432[%sub3A_424, %dma_wait3A_433, %dma_wait3A_434] : memref<32x8x128xf32, #tpu.memory_space<vmem>> -> memref<1x8x128xf32, #tpu.memory_space<vmem>>
            %dma_wait3A_436 = tpu.memref_squeeze %dma_wait3A_435 : memref<1x8x128xf32, #tpu.memory_space<vmem>> -> memref<8x128xf32, #tpu.memory_space<vmem>>
            %dma_wait3A_437 = arith.constant 0 : i32
            %dma_wait3A_438 = arith.constant 0 : i32
            %dma_wait3A_439 = tpu.memref_slice %arg4[%dma_wait3A_425, %dma_wait3A_426, %dma_wait3A_427, %dma_wait3A_437, %dma_wait3A_438] : memref<20x26x32x8x128xf32, #tpu.memory_space<hbm>> -> memref<1x1x1x8x128xf32, #tpu.memory_space<hbm>>
            %dma_wait3A_440 = tpu.memref_squeeze %dma_wait3A_439 : memref<1x1x1x8x128xf32, #tpu.memory_space<hbm>> -> memref<8x128xf32, #tpu.memory_space<hbm>>
            %dma_wait3A_441 = arith.constant 0 : i32
            %dma_wait3A_442 = arith.constant 0 : i32
            %dma_wait3A_443 = arith.constant 0 : i32
            %dma_wait3A_444 = tpu.memref_slice %arg6[%cond3A_70, %dma_wait3A_441, %dma_wait3A_442, %dma_wait3A_443] : memref<2x32x8x128xf32, #tpu.memory_space<vmem>> -> memref<1x32x8x128xf32, #tpu.memory_space<vmem>>
            %dma_wait3A_445 = tpu.memref_squeeze %dma_wait3A_444 : memref<1x32x8x128xf32, #tpu.memory_space<vmem>> -> memref<32x8x128xf32, #tpu.memory_space<vmem>>
            %dma_wait3A_446 = arith.constant 0 : i32
            %dma_wait3A_447 = arith.constant 0 : i32
            %dma_wait3A_448 = tpu.memref_slice %dma_wait3A_445[%sub3A_424, %dma_wait3A_446, %dma_wait3A_447] : memref<32x8x128xf32, #tpu.memory_space<vmem>> -> memref<1x8x128xf32, #tpu.memory_space<vmem>>
            %dma_wait3A_449 = tpu.memref_squeeze %dma_wait3A_448 : memref<1x8x128xf32, #tpu.memory_space<vmem>> -> memref<8x128xf32, #tpu.memory_space<vmem>>
            %dma_wait3A_450 = arith.constant 0 : i32
            %dma_wait3A_451 = arith.constant 0 : i32
            %dma_wait3A_452 = tpu.memref_slice %arg4[%dma_wait3A_425, %dma_wait3A_426, %dma_wait3A_427, %dma_wait3A_450, %dma_wait3A_451] : memref<20x26x32x8x128xf32, #tpu.memory_space<hbm>> -> memref<1x1x1x8x128xf32, #tpu.memory_space<hbm>>
            %dma_wait3A_453 = tpu.memref_squeeze %dma_wait3A_452 : memref<1x1x1x8x128xf32, #tpu.memory_space<hbm>> -> memref<8x128xf32, #tpu.memory_space<hbm>>
            tpu.wait_dma2 semaphore(%arg7 : memref<!tpu.dma_semaphore, #tpu.memory_space<semaphore_mem>>) src(%dma_wait3A_453 : memref<8x128xf32, #tpu.memory_space<hbm>>) dst(%dma_wait3A_449 : memref<8x128xf32, #tpu.memory_space<vmem>>)
          } else {
          }
        }
        %scan3A_101 = arith.constant 32 : i32
        %dma_wait3A_102 = arith.constant 0 : i32
        %dma_wait3A_103 = arith.constant 0 : i32
        %dma_wait3A_104 = arith.constant 0 : i32
        %dma_wait3A_105 = arith.constant 28 : i32
        %dma_wait3A_106 = arith.constant 0 : i32
        %dma_wait3A_107 = arith.constant 0 : i32
        %dma_wait3A_108 = arith.constant 0 : i32
        %dma_wait3A_109 = tpu.memref_slice %arg6[%cond3A_70, %dma_wait3A_106, %dma_wait3A_107, %dma_wait3A_108] : memref<2x32x8x128xf32, #tpu.memory_space<vmem>> -> memref<1x32x8x128xf32, #tpu.memory_space<vmem>>
        %dma_wait3A_110 = tpu.memref_squeeze %dma_wait3A_109 : memref<1x32x8x128xf32, #tpu.memory_space<vmem>> -> memref<32x8x128xf32, #tpu.memory_space<vmem>>
        %dma_wait3A_111 = arith.constant 0 : i32
        %dma_wait3A_112 = arith.constant 0 : i32
        %dma_wait3A_113 = tpu.memref_slice %dma_wait3A_110[%dma_wait3A_105, %dma_wait3A_111, %dma_wait3A_112] : memref<32x8x128xf32, #tpu.memory_space<vmem>> -> memref<1x8x128xf32, #tpu.memory_space<vmem>>
        %dma_wait3A_114 = tpu.memref_squeeze %dma_wait3A_113 : memref<1x8x128xf32, #tpu.memory_space<vmem>> -> memref<8x128xf32, #tpu.memory_space<vmem>>
        %dma_wait3A_115 = arith.constant 0 : i32
        %dma_wait3A_116 = arith.constant 0 : i32
        %dma_wait3A_117 = tpu.memref_slice %arg4[%dma_wait3A_102, %dma_wait3A_103, %dma_wait3A_104, %dma_wait3A_115, %dma_wait3A_116] : memref<20x26x32x8x128xf32, #tpu.memory_space<hbm>> -> memref<1x1x1x8x128xf32, #tpu.memory_space<hbm>>
        %dma_wait3A_118 = tpu.memref_squeeze %dma_wait3A_117 : memref<1x1x1x8x128xf32, #tpu.memory_space<hbm>> -> memref<8x128xf32, #tpu.memory_space<hbm>>
        %dma_wait3A_119 = arith.constant 0 : i32
        %dma_wait3A_120 = arith.constant 0 : i32
        %dma_wait3A_121 = arith.constant 0 : i32
        %dma_wait3A_122 = tpu.memref_slice %arg6[%cond3A_70, %dma_wait3A_119, %dma_wait3A_120, %dma_wait3A_121] : memref<2x32x8x128xf32, #tpu.memory_space<vmem>> -> memref<1x32x8x128xf32, #tpu.memory_space<vmem>>
        %dma_wait3A_123 = tpu.memref_squeeze %dma_wait3A_122 : memref<1x32x8x128xf32, #tpu.memory_space<vmem>> -> memref<32x8x128xf32, #tpu.memory_space<vmem>>
        %dma_wait3A_124 = arith.constant 0 : i32
        %dma_wait3A_125 = arith.constant 0 : i32
        %dma_wait3A_126 = tpu.memref_slice %dma_wait3A_123[%dma_wait3A_105, %dma_wait3A_124, %dma_wait3A_125] : memref<32x8x128xf32, #tpu.memory_space<vmem>> -> memref<1x8x128xf32, #tpu.memory_space<vmem>>
        %dma_wait3A_127 = tpu.memref_squeeze %dma_wait3A_126 : memref<1x8x128xf32, #tpu.memory_space<vmem>> -> memref<8x128xf32, #tpu.memory_space<vmem>>
        %dma_wait3A_128 = arith.constant 0 : i32
        %dma_wait3A_129 = arith.constant 0 : i32
        %dma_wait3A_130 = tpu.memref_slice %arg4[%dma_wait3A_102, %dma_wait3A_103, %dma_wait3A_104, %dma_wait3A_128, %dma_wait3A_129] : memref<20x26x32x8x128xf32, #tpu.memory_space<hbm>> -> memref<1x1x1x8x128xf32, #tpu.memory_space<hbm>>
        %dma_wait3A_131 = tpu.memref_squeeze %dma_wait3A_130 : memref<1x1x1x8x128xf32, #tpu.memory_space<hbm>> -> memref<8x128xf32, #tpu.memory_space<hbm>>
        tpu.wait_dma2 semaphore(%arg7 : memref<!tpu.dma_semaphore, #tpu.memory_space<semaphore_mem>>) src(%dma_wait3A_131 : memref<8x128xf32, #tpu.memory_space<hbm>>) dst(%dma_wait3A_127 : memref<8x128xf32, #tpu.memory_space<vmem>>)
        %dma_wait3A_132 = arith.constant 0 : i32
        %dma_wait3A_133 = arith.constant 0 : i32
        %dma_wait3A_134 = arith.constant 0 : i32
        %dma_wait3A_135 = arith.constant 29 : i32
        %dma_wait3A_136 = arith.constant 0 : i32
        %dma_wait3A_137 = arith.constant 0 : i32
        %dma_wait3A_138 = arith.constant 0 : i32
        %dma_wait3A_139 = tpu.memref_slice %arg6[%cond3A_70, %dma_wait3A_136, %dma_wait3A_137, %dma_wait3A_138] : memref<2x32x8x128xf32, #tpu.memory_space<vmem>> -> memref<1x32x8x128xf32, #tpu.memory_space<vmem>>
        %dma_wait3A_140 = tpu.memref_squeeze %dma_wait3A_139 : memref<1x32x8x128xf32, #tpu.memory_space<vmem>> -> memref<32x8x128xf32, #tpu.memory_space<vmem>>
        %dma_wait3A_141 = arith.constant 0 : i32
        %dma_wait3A_142 = arith.constant 0 : i32
        %dma_wait3A_143 = tpu.memref_slice %dma_wait3A_140[%dma_wait3A_135, %dma_wait3A_141, %dma_wait3A_142] : memref<32x8x128xf32, #tpu.memory_space<vmem>> -> memref<1x8x128xf32, #tpu.memory_space<vmem>>
        %dma_wait3A_144 = tpu.memref_squeeze %dma_wait3A_143 : memref<1x8x128xf32, #tpu.memory_space<vmem>> -> memref<8x128xf32, #tpu.memory_space<vmem>>
        %dma_wait3A_145 = arith.constant 0 : i32
        %dma_wait3A_146 = arith.constant 0 : i32
        %dma_wait3A_147 = tpu.memref_slice %arg4[%dma_wait3A_132, %dma_wait3A_133, %dma_wait3A_134, %dma_wait3A_145, %dma_wait3A_146] : memref<20x26x32x8x128xf32, #tpu.memory_space<hbm>> -> memref<1x1x1x8x128xf32, #tpu.memory_space<hbm>>
        %dma_wait3A_148 = tpu.memref_squeeze %dma_wait3A_147 : memref<1x1x1x8x128xf32, #tpu.memory_space<hbm>> -> memref<8x128xf32, #tpu.memory_space<hbm>>
        %dma_wait3A_149 = arith.constant 0 : i32
        %dma_wait3A_150 = arith.constant 0 : i32
        %dma_wait3A_151 = arith.constant 0 : i32
        %dma_wait3A_152 = tpu.memref_slice %arg6[%cond3A_70, %dma_wait3A_149, %dma_wait3A_150, %dma_wait3A_151] : memref<2x32x8x128xf32, #tpu.memory_space<vmem>> -> memref<1x32x8x128xf32, #tpu.memory_space<vmem>>
        %dma_wait3A_153 = tpu.memref_squeeze %dma_wait3A_152 : memref<1x32x8x128xf32, #tpu.memory_space<vmem>> -> memref<32x8x128xf32, #tpu.memory_space<vmem>>
        %dma_wait3A_154 = arith.constant 0 : i32
        %dma_wait3A_155 = arith.constant 0 : i32
        %dma_wait3A_156 = tpu.memref_slice %dma_wait3A_153[%dma_wait3A_135, %dma_wait3A_154, %dma_wait3A_155] : memref<32x8x128xf32, #tpu.memory_space<vmem>> -> memref<1x8x128xf32, #tpu.memory_space<vmem>>
        %dma_wait3A_157 = tpu.memref_squeeze %dma_wait3A_156 : memref<1x8x128xf32, #tpu.memory_space<vmem>> -> memref<8x128xf32, #tpu.memory_space<vmem>>
        %dma_wait3A_158 = arith.constant 0 : i32
        %dma_wait3A_159 = arith.constant 0 : i32
        %dma_wait3A_160 = tpu.memref_slice %arg4[%dma_wait3A_132, %dma_wait3A_133, %dma_wait3A_134, %dma_wait3A_158, %dma_wait3A_159] : memref<20x26x32x8x128xf32, #tpu.memory_space<hbm>> -> memref<1x1x1x8x128xf32, #tpu.memory_space<hbm>>
        %dma_wait3A_161 = tpu.memref_squeeze %dma_wait3A_160 : memref<1x1x1x8x128xf32, #tpu.memory_space<hbm>> -> memref<8x128xf32, #tpu.memory_space<hbm>>
        tpu.wait_dma2 semaphore(%arg7 : memref<!tpu.dma_semaphore, #tpu.memory_space<semaphore_mem>>) src(%dma_wait3A_161 : memref<8x128xf32, #tpu.memory_space<hbm>>) dst(%dma_wait3A_157 : memref<8x128xf32, #tpu.memory_space<vmem>>)
        %dma_wait3A_162 = arith.constant 0 : i32
        %dma_wait3A_163 = arith.constant 0 : i32
        %dma_wait3A_164 = arith.constant 0 : i32
        %dma_wait3A_165 = arith.constant 30 : i32
        %dma_wait3A_166 = arith.constant 0 : i32
        %dma_wait3A_167 = arith.constant 0 : i32
        %dma_wait3A_168 = arith.constant 0 : i32
        %dma_wait3A_169 = tpu.memref_slice %arg6[%cond3A_70, %dma_wait3A_166, %dma_wait3A_167, %dma_wait3A_168] : memref<2x32x8x128xf32, #tpu.memory_space<vmem>> -> memref<1x32x8x128xf32, #tpu.memory_space<vmem>>
        %dma_wait3A_170 = tpu.memref_squeeze %dma_wait3A_169 : memref<1x32x8x128xf32, #tpu.memory_space<vmem>> -> memref<32x8x128xf32, #tpu.memory_space<vmem>>
        %dma_wait3A_171 = arith.constant 0 : i32
        %dma_wait3A_172 = arith.constant 0 : i32
        %dma_wait3A_173 = tpu.memref_slice %dma_wait3A_170[%dma_wait3A_165, %dma_wait3A_171, %dma_wait3A_172] : memref<32x8x128xf32, #tpu.memory_space<vmem>> -> memref<1x8x128xf32, #tpu.memory_space<vmem>>
        %dma_wait3A_174 = tpu.memref_squeeze %dma_wait3A_173 : memref<1x8x128xf32, #tpu.memory_space<vmem>> -> memref<8x128xf32, #tpu.memory_space<vmem>>
        %dma_wait3A_175 = arith.constant 0 : i32
        %dma_wait3A_176 = arith.constant 0 : i32
        %dma_wait3A_177 = tpu.memref_slice %arg4[%dma_wait3A_162, %dma_wait3A_163, %dma_wait3A_164, %dma_wait3A_175, %dma_wait3A_176] : memref<20x26x32x8x128xf32, #tpu.memory_space<hbm>> -> memref<1x1x1x8x128xf32, #tpu.memory_space<hbm>>
        %dma_wait3A_178 = tpu.memref_squeeze %dma_wait3A_177 : memref<1x1x1x8x128xf32, #tpu.memory_space<hbm>> -> memref<8x128xf32, #tpu.memory_space<hbm>>
        %dma_wait3A_179 = arith.constant 0 : i32
        %dma_wait3A_180 = arith.constant 0 : i32
        %dma_wait3A_181 = arith.constant 0 : i32
        %dma_wait3A_182 = tpu.memref_slice %arg6[%cond3A_70, %dma_wait3A_179, %dma_wait3A_180, %dma_wait3A_181] : memref<2x32x8x128xf32, #tpu.memory_space<vmem>> -> memref<1x32x8x128xf32, #tpu.memory_space<vmem>>
        %dma_wait3A_183 = tpu.memref_squeeze %dma_wait3A_182 : memref<1x32x8x128xf32, #tpu.memory_space<vmem>> -> memref<32x8x128xf32, #tpu.memory_space<vmem>>
        %dma_wait3A_184 = arith.constant 0 : i32
        %dma_wait3A_185 = arith.constant 0 : i32
        %dma_wait3A_186 = tpu.memref_slice %dma_wait3A_183[%dma_wait3A_165, %dma_wait3A_184, %dma_wait3A_185] : memref<32x8x128xf32, #tpu.memory_space<vmem>> -> memref<1x8x128xf32, #tpu.memory_space<vmem>>
        %dma_wait3A_187 = tpu.memref_squeeze %dma_wait3A_186 : memref<1x8x128xf32, #tpu.memory_space<vmem>> -> memref<8x128xf32, #tpu.memory_space<vmem>>
        %dma_wait3A_188 = arith.constant 0 : i32
        %dma_wait3A_189 = arith.constant 0 : i32
        %dma_wait3A_190 = tpu.memref_slice %arg4[%dma_wait3A_162, %dma_wait3A_163, %dma_wait3A_164, %dma_wait3A_188, %dma_wait3A_189] : memref<20x26x32x8x128xf32, #tpu.memory_space<hbm>> -> memref<1x1x1x8x128xf32, #tpu.memory_space<hbm>>
        %dma_wait3A_191 = tpu.memref_squeeze %dma_wait3A_190 : memref<1x1x1x8x128xf32, #tpu.memory_space<hbm>> -> memref<8x128xf32, #tpu.memory_space<hbm>>
        tpu.wait_dma2 semaphore(%arg7 : memref<!tpu.dma_semaphore, #tpu.memory_space<semaphore_mem>>) src(%dma_wait3A_191 : memref<8x128xf32, #tpu.memory_space<hbm>>) dst(%dma_wait3A_187 : memref<8x128xf32, #tpu.memory_space<vmem>>)
        %dma_wait3A_192 = arith.constant 0 : i32
        %dma_wait3A_193 = arith.constant 0 : i32
        %dma_wait3A_194 = arith.constant 0 : i32
        %dma_wait3A_195 = arith.constant 31 : i32
        %dma_wait3A_196 = arith.constant 0 : i32
        %dma_wait3A_197 = arith.constant 0 : i32
        %dma_wait3A_198 = arith.constant 0 : i32
        %dma_wait3A_199 = tpu.memref_slice %arg6[%cond3A_70, %dma_wait3A_196, %dma_wait3A_197, %dma_wait3A_198] : memref<2x32x8x128xf32, #tpu.memory_space<vmem>> -> memref<1x32x8x128xf32, #tpu.memory_space<vmem>>
        %dma_wait3A_200 = tpu.memref_squeeze %dma_wait3A_199 : memref<1x32x8x128xf32, #tpu.memory_space<vmem>> -> memref<32x8x128xf32, #tpu.memory_space<vmem>>
        %dma_wait3A_201 = arith.constant 0 : i32
        %dma_wait3A_202 = arith.constant 0 : i32
        %dma_wait3A_203 = tpu.memref_slice %dma_wait3A_200[%dma_wait3A_195, %dma_wait3A_201, %dma_wait3A_202] : memref<32x8x128xf32, #tpu.memory_space<vmem>> -> memref<1x8x128xf32, #tpu.memory_space<vmem>>
        %dma_wait3A_204 = tpu.memref_squeeze %dma_wait3A_203 : memref<1x8x128xf32, #tpu.memory_space<vmem>> -> memref<8x128xf32, #tpu.memory_space<vmem>>
        %dma_wait3A_205 = arith.constant 0 : i32
        %dma_wait3A_206 = arith.constant 0 : i32
        %dma_wait3A_207 = tpu.memref_slice %arg4[%dma_wait3A_192, %dma_wait3A_193, %dma_wait3A_194, %dma_wait3A_205, %dma_wait3A_206] : memref<20x26x32x8x128xf32, #tpu.memory_space<hbm>> -> memref<1x1x1x8x128xf32, #tpu.memory_space<hbm>>
        %dma_wait3A_208 = tpu.memref_squeeze %dma_wait3A_207 : memref<1x1x1x8x128xf32, #tpu.memory_space<hbm>> -> memref<8x128xf32, #tpu.memory_space<hbm>>
        %dma_wait3A_209 = arith.constant 0 : i32
        %dma_wait3A_210 = arith.constant 0 : i32
        %dma_wait3A_211 = arith.constant 0 : i32
        %dma_wait3A_212 = tpu.memref_slice %arg6[%cond3A_70, %dma_wait3A_209, %dma_wait3A_210, %dma_wait3A_211] : memref<2x32x8x128xf32, #tpu.memory_space<vmem>> -> memref<1x32x8x128xf32, #tpu.memory_space<vmem>>
        %dma_wait3A_213 = tpu.memref_squeeze %dma_wait3A_212 : memref<1x32x8x128xf32, #tpu.memory_space<vmem>> -> memref<32x8x128xf32, #tpu.memory_space<vmem>>
        %dma_wait3A_214 = arith.constant 0 : i32
        %dma_wait3A_215 = arith.constant 0 : i32
        %dma_wait3A_216 = tpu.memref_slice %dma_wait3A_213[%dma_wait3A_195, %dma_wait3A_214, %dma_wait3A_215] : memref<32x8x128xf32, #tpu.memory_space<vmem>> -> memref<1x8x128xf32, #tpu.memory_space<vmem>>
        %dma_wait3A_217 = tpu.memref_squeeze %dma_wait3A_216 : memref<1x8x128xf32, #tpu.memory_space<vmem>> -> memref<8x128xf32, #tpu.memory_space<vmem>>
        %dma_wait3A_218 = arith.constant 0 : i32
        %dma_wait3A_219 = arith.constant 0 : i32
        %dma_wait3A_220 = tpu.memref_slice %arg4[%dma_wait3A_192, %dma_wait3A_193, %dma_wait3A_194, %dma_wait3A_218, %dma_wait3A_219] : memref<20x26x32x8x128xf32, #tpu.memory_space<hbm>> -> memref<1x1x1x8x128xf32, #tpu.memory_space<hbm>>
        %dma_wait3A_221 = tpu.memref_squeeze %dma_wait3A_220 : memref<1x1x1x8x128xf32, #tpu.memory_space<hbm>> -> memref<8x128xf32, #tpu.memory_space<hbm>>
        tpu.wait_dma2 semaphore(%arg7 : memref<!tpu.dma_semaphore, #tpu.memory_space<semaphore_mem>>) src(%dma_wait3A_221 : memref<8x128xf32, #tpu.memory_space<hbm>>) dst(%dma_wait3A_217 : memref<8x128xf32, #tpu.memory_space<vmem>>)
        %dma_start3A = arith.constant 0 : i32
        %dma_start3A_222 = arith.constant 0 : i32
        %dma_start3A_223 = arith.constant 0 : i32
        %dma_start3A_224 = tpu.memref_slice %arg6[%cond3A_70, %dma_start3A, %dma_start3A_222, %dma_start3A_223] : memref<2x32x8x128xf32, #tpu.memory_space<vmem>> -> memref<1x32x8x128xf32, #tpu.memory_space<vmem>>
        %dma_start3A_225 = tpu.memref_squeeze %dma_start3A_224 : memref<1x32x8x128xf32, #tpu.memory_space<vmem>> -> memref<32x8x128xf32, #tpu.memory_space<vmem>>
        %dma_start3A_226 = arith.constant 0 : i32
        %dma_start3A_227 = arith.constant 0 : i32
        %dma_start3A_228 = arith.constant 0 : i32
        %dma_start3A_229 = tpu.memref_slice %arg4[%select_n3A, %sub3A_92, %dma_start3A_226, %dma_start3A_227, %dma_start3A_228] : memref<20x26x32x8x128xf32, #tpu.memory_space<hbm>> -> memref<1x1x32x8x128xf32, #tpu.memory_space<hbm>>
        %dma_start3A_230 = tpu.memref_squeeze %dma_start3A_229 : memref<1x1x32x8x128xf32, #tpu.memory_space<hbm>> -> memref<32x8x128xf32, #tpu.memory_space<hbm>>
        %dma_start3A_231 = arith.constant 0 : i32
        %dma_start3A_232 = arith.constant 0 : i32
        %dma_start3A_233 = arith.constant 0 : i32
        %dma_start3A_234 = tpu.memref_slice %arg4[%select_n3A, %sub3A_92, %dma_start3A_231, %dma_start3A_232, %dma_start3A_233] : memref<20x26x32x8x128xf32, #tpu.memory_space<hbm>> -> memref<1x1x32x8x128xf32, #tpu.memory_space<hbm>>
        %dma_start3A_235 = tpu.memref_squeeze %dma_start3A_234 : memref<1x1x32x8x128xf32, #tpu.memory_space<hbm>> -> memref<32x8x128xf32, #tpu.memory_space<hbm>>
        %dma_start3A_236 = arith.constant 0 : i32
        %dma_start3A_237 = arith.constant 0 : i32
        %dma_start3A_238 = arith.constant 0 : i32
        %dma_start3A_239 = tpu.memref_slice %arg6[%cond3A_70, %dma_start3A_236, %dma_start3A_237, %dma_start3A_238] : memref<2x32x8x128xf32, #tpu.memory_space<vmem>> -> memref<1x32x8x128xf32, #tpu.memory_space<vmem>>
        %dma_start3A_240 = tpu.memref_squeeze %dma_start3A_239 : memref<1x32x8x128xf32, #tpu.memory_space<vmem>> -> memref<32x8x128xf32, #tpu.memory_space<vmem>>
        tpu.enqueue_dma source(%dma_start3A_240 : memref<32x8x128xf32, #tpu.memory_space<vmem>>) target(%dma_start3A_235 : memref<32x8x128xf32, #tpu.memory_space<hbm>>) target_semaphore(%arg8 : memref<!tpu.dma_semaphore, #tpu.memory_space<semaphore_mem>>)
      } else {
      }
    }
    %scan3A_4 = arith.constant 9 : i32
    %dma_wait3A = arith.constant 0 : i32
    %dma_wait3A_5 = arith.constant 0 : i32
    %dma_wait3A_6 = arith.constant 0 : i32
    %dma_wait3A_7 = arith.constant 0 : i32
    %dma_wait3A_8 = arith.constant 0 : i32
    %dma_wait3A_9 = arith.constant 0 : i32
    %dma_wait3A_10 = tpu.memref_slice %arg6[%dma_wait3A, %dma_wait3A_7, %dma_wait3A_8, %dma_wait3A_9] : memref<2x32x8x128xf32, #tpu.memory_space<vmem>> -> memref<1x32x8x128xf32, #tpu.memory_space<vmem>>
    %dma_wait3A_11 = tpu.memref_squeeze %dma_wait3A_10 : memref<1x32x8x128xf32, #tpu.memory_space<vmem>> -> memref<32x8x128xf32, #tpu.memory_space<vmem>>
    %dma_wait3A_12 = arith.constant 0 : i32
    %dma_wait3A_13 = arith.constant 0 : i32
    %dma_wait3A_14 = arith.constant 0 : i32
    %dma_wait3A_15 = tpu.memref_slice %arg4[%dma_wait3A_5, %dma_wait3A_6, %dma_wait3A_12, %dma_wait3A_13, %dma_wait3A_14] : memref<20x26x32x8x128xf32, #tpu.memory_space<hbm>> -> memref<1x1x32x8x128xf32, #tpu.memory_space<hbm>>
    %dma_wait3A_16 = tpu.memref_squeeze %dma_wait3A_15 : memref<1x1x32x8x128xf32, #tpu.memory_space<hbm>> -> memref<32x8x128xf32, #tpu.memory_space<hbm>>
    %dma_wait3A_17 = arith.constant 0 : i32
    %dma_wait3A_18 = arith.constant 0 : i32
    %dma_wait3A_19 = arith.constant 0 : i32
    %dma_wait3A_20 = tpu.memref_slice %arg4[%dma_wait3A_5, %dma_wait3A_6, %dma_wait3A_17, %dma_wait3A_18, %dma_wait3A_19] : memref<20x26x32x8x128xf32, #tpu.memory_space<hbm>> -> memref<1x1x32x8x128xf32, #tpu.memory_space<hbm>>
    %dma_wait3A_21 = tpu.memref_squeeze %dma_wait3A_20 : memref<1x1x32x8x128xf32, #tpu.memory_space<hbm>> -> memref<32x8x128xf32, #tpu.memory_space<hbm>>
    %dma_wait3A_22 = arith.constant 0 : i32
    %dma_wait3A_23 = arith.constant 0 : i32
    %dma_wait3A_24 = arith.constant 0 : i32
    %dma_wait3A_25 = tpu.memref_slice %arg6[%dma_wait3A, %dma_wait3A_22, %dma_wait3A_23, %dma_wait3A_24] : memref<2x32x8x128xf32, #tpu.memory_space<vmem>> -> memref<1x32x8x128xf32, #tpu.memory_space<vmem>>
    %dma_wait3A_26 = tpu.memref_squeeze %dma_wait3A_25 : memref<1x32x8x128xf32, #tpu.memory_space<vmem>> -> memref<32x8x128xf32, #tpu.memory_space<vmem>>
    tpu.wait_dma2 semaphore(%arg8 : memref<!tpu.dma_semaphore, #tpu.memory_space<semaphore_mem>>) src(%dma_wait3A_26 : memref<32x8x128xf32, #tpu.memory_space<vmem>>) dst(%dma_wait3A_21 : memref<32x8x128xf32, #tpu.memory_space<hbm>>)
    %dma_wait3A_27 = arith.constant 1 : i32
    %dma_wait3A_28 = arith.constant 0 : i32
    %dma_wait3A_29 = arith.constant 0 : i32
    %dma_wait3A_30 = arith.constant 0 : i32
    %dma_wait3A_31 = arith.constant 0 : i32
    %dma_wait3A_32 = arith.constant 0 : i32
    %dma_wait3A_33 = tpu.memref_slice %arg6[%dma_wait3A_27, %dma_wait3A_30, %dma_wait3A_31, %dma_wait3A_32] : memref<2x32x8x128xf32, #tpu.memory_space<vmem>> -> memref<1x32x8x128xf32, #tpu.memory_space<vmem>>
    %dma_wait3A_34 = tpu.memref_squeeze %dma_wait3A_33 : memref<1x32x8x128xf32, #tpu.memory_space<vmem>> -> memref<32x8x128xf32, #tpu.memory_space<vmem>>
    %dma_wait3A_35 = arith.constant 0 : i32
    %dma_wait3A_36 = arith.constant 0 : i32
    %dma_wait3A_37 = arith.constant 0 : i32
    %dma_wait3A_38 = tpu.memref_slice %arg4[%dma_wait3A_28, %dma_wait3A_29, %dma_wait3A_35, %dma_wait3A_36, %dma_wait3A_37] : memref<20x26x32x8x128xf32, #tpu.memory_space<hbm>> -> memref<1x1x32x8x128xf32, #tpu.memory_space<hbm>>
    %dma_wait3A_39 = tpu.memref_squeeze %dma_wait3A_38 : memref<1x1x32x8x128xf32, #tpu.memory_space<hbm>> -> memref<32x8x128xf32, #tpu.memory_space<hbm>>
    %dma_wait3A_40 = arith.constant 0 : i32
    %dma_wait3A_41 = arith.constant 0 : i32
    %dma_wait3A_42 = arith.constant 0 : i32
    %dma_wait3A_43 = tpu.memref_slice %arg4[%dma_wait3A_28, %dma_wait3A_29, %dma_wait3A_40, %dma_wait3A_41, %dma_wait3A_42] : memref<20x26x32x8x128xf32, #tpu.memory_space<hbm>> -> memref<1x1x32x8x128xf32, #tpu.memory_space<hbm>>
    %dma_wait3A_44 = tpu.memref_squeeze %dma_wait3A_43 : memref<1x1x32x8x128xf32, #tpu.memory_space<hbm>> -> memref<32x8x128xf32, #tpu.memory_space<hbm>>
    %dma_wait3A_45 = arith.constant 0 : i32
    %dma_wait3A_46 = arith.constant 0 : i32
    %dma_wait3A_47 = arith.constant 0 : i32
    %dma_wait3A_48 = tpu.memref_slice %arg6[%dma_wait3A_27, %dma_wait3A_45, %dma_wait3A_46, %dma_wait3A_47] : memref<2x32x8x128xf32, #tpu.memory_space<vmem>> -> memref<1x32x8x128xf32, #tpu.memory_space<vmem>>
    %dma_wait3A_49 = tpu.memref_squeeze %dma_wait3A_48 : memref<1x32x8x128xf32, #tpu.memory_space<vmem>> -> memref<32x8x128xf32, #tpu.memory_space<vmem>>
    tpu.wait_dma2 semaphore(%arg8 : memref<!tpu.dma_semaphore, #tpu.memory_space<semaphore_mem>>) src(%dma_wait3A_49 : memref<32x8x128xf32, #tpu.memory_space<vmem>>) dst(%dma_wait3A_44 : memref<32x8x128xf32, #tpu.memory_space<hbm>>)
    return
  }
}

module attributes {stable_mosaic.version = 14 : i64} {
  func.func @_ln_body(%arg0: i32, %arg1: i32, %arg2: memref<1x26x32x512xf32, #tpu.memory_space<vmem>>, %arg3: memref<1x13x512xf32, #tpu.memory_space<vmem>>, %arg4: memref<13x32xf32, #tpu.memory_space<vmem>>, %arg5: memref<32x1xf32, #tpu.memory_space<vmem>>, %arg6: memref<32x1xf32, #tpu.memory_space<vmem>>, %arg7: memref<1x39x32x512xf32, #tpu.memory_space<vmem>>) attributes {dimension_semantics = [#tpu.dimension_semantics<arbitrary>, #tpu.dimension_semantics<arbitrary>], iteration_bounds = array<i64: 20, 2>, scalar_prefetch = 0 : i64, scratch_operands = 0 : i64, tpu.core_type = #tpu.core_type<tc>, window_params = [{transform_indices = @transform_0, window_bounds = array<i64: 1, 26, 32, 512>}, {transform_indices = @transform_1, window_bounds = array<i64: 1, 13, 512>}, {pipeline_mode = #tpu.pipeline_mode<synchronous>, transform_indices = @transform_2, window_bounds = array<i64: 13, 32>}, {pipeline_mode = #tpu.pipeline_mode<synchronous>, transform_indices = @transform_3, window_bounds = array<i64: 32, 1>}, {pipeline_mode = #tpu.pipeline_mode<synchronous>, transform_indices = @transform_4, window_bounds = array<i64: 32, 1>}, {transform_indices = @transform_5, window_bounds = array<i64: 1, 39, 32, 512>}]} {
    %get3A = arith.constant 0 : index
    %get3A_0 = arith.constant 0 : index
    %get3A_1 = arith.constant 0 : index
    %get3A_2 = arith.constant 0 : index
    %get3A_3 = vector.load %arg2[%get3A, %get3A_0, %get3A_1, %get3A_2] : memref<1x26x32x512xf32, #tpu.memory_space<vmem>>, vector<1x26x32x512xf32>
    %get3A_4 = vector.shape_cast %get3A_3 : vector<1x26x32x512xf32> to vector<26x32x512xf32>
    %get3A_5 = arith.constant 0 : index
    %get3A_6 = arith.constant 0 : index
    %get3A_7 = arith.constant 0 : index
    %get3A_8 = vector.load %arg3[%get3A_5, %get3A_6, %get3A_7] : memref<1x13x512xf32, #tpu.memory_space<vmem>>, vector<1x13x512xf32>
    %get3A_9 = vector.shape_cast %get3A_8 : vector<1x13x512xf32> to vector<13x512xf32>
    %get3A_10 = arith.constant 0 : index
    %get3A_11 = arith.constant 0 : index
    %get3A_12 = vector.load %arg4[%get3A_10, %get3A_11] : memref<13x32xf32, #tpu.memory_space<vmem>>, vector<13x32xf32>
    %broadcast_in_dim3A = vector.shape_cast %get3A_9 : vector<13x512xf32> to vector<13x1x512xf32>
    %broadcast_in_dim3A_13 = vector.shape_cast %get3A_12 : vector<13x32xf32> to vector<13x32x1xf32>
    %mul3A = vector.broadcast %broadcast_in_dim3A : vector<13x1x512xf32> to vector<13x32x512xf32>
    %mul3A_14 = vector.broadcast %broadcast_in_dim3A_13 : vector<13x32x1xf32> to vector<13x32x512xf32>
    %mul3A_15 = arith.mulf %mul3A, %mul3A_14 : vector<13x32x512xf32>
    %concatenate3A = tpu.concatenate %get3A_4, %mul3A_15 in 0 : vector<26x32x512xf32>, vector<13x32x512xf32> -> vector<39x32x512xf32>
    %reduce_sum3A = arith.constant dense<0.000000e+00> : vector<39x512xf32>
    %reduce_sum3A_16 = vector.multi_reduction <add>, %concatenate3A, %reduce_sum3A [1] : vector<39x32x512xf32> to vector<39x512xf32>
    %broadcast_in_dim3A_17 = vector.shape_cast %reduce_sum3A_16 : vector<39x512xf32> to vector<39x1x512xf32>
    %div3A = arith.constant 3.200000e+01 : f32
    %div3A_18 = vector.broadcast %div3A : f32 to vector<39x1x512xf32>
    %div3A_19 = arith.divf %broadcast_in_dim3A_17, %div3A_18 : vector<39x1x512xf32>
    %sub3A = vector.broadcast %div3A_19 : vector<39x1x512xf32> to vector<39x32x512xf32>
    %sub3A_20 = arith.subf %concatenate3A, %sub3A : vector<39x32x512xf32>
    %mul3A_21 = arith.mulf %sub3A_20, %sub3A_20 : vector<39x32x512xf32>
    %reduce_sum3A_22 = arith.constant dense<0.000000e+00> : vector<39x512xf32>
    %reduce_sum3A_23 = vector.multi_reduction <add>, %mul3A_21, %reduce_sum3A_22 [1] : vector<39x32x512xf32> to vector<39x512xf32>
    %broadcast_in_dim3A_24 = vector.shape_cast %reduce_sum3A_23 : vector<39x512xf32> to vector<39x1x512xf32>
    %div3A_25 = arith.constant 3.200000e+01 : f32
    %div3A_26 = vector.broadcast %div3A_25 : f32 to vector<39x1x512xf32>
    %div3A_27 = arith.divf %broadcast_in_dim3A_24, %div3A_26 : vector<39x1x512xf32>
    %add3A = arith.constant 9.99999996E-13 : f32
    %add3A_28 = vector.broadcast %add3A : f32 to vector<39x1x512xf32>
    %add3A_29 = arith.addf %div3A_27, %add3A_28 : vector<39x1x512xf32>
    %rsqrt3A = math.rsqrt %add3A_29 : vector<39x1x512xf32>
    %mul3A_30 = vector.broadcast %rsqrt3A : vector<39x1x512xf32> to vector<39x32x512xf32>
    %mul3A_31 = arith.mulf %sub3A_20, %mul3A_30 : vector<39x32x512xf32>
    %get3A_32 = arith.constant 0 : index
    %get3A_33 = arith.constant 0 : index
    %get3A_34 = vector.load %arg5[%get3A_32, %get3A_33] : memref<32x1xf32, #tpu.memory_space<vmem>>, vector<32x1xf32>
    %broadcast_in_dim3A_35 = vector.shape_cast %get3A_34 : vector<32x1xf32> to vector<1x32x1xf32>
    %mul3A_36 = vector.broadcast %broadcast_in_dim3A_35 : vector<1x32x1xf32> to vector<39x32x512xf32>
    %mul3A_37 = arith.mulf %mul3A_36, %mul3A_31 : vector<39x32x512xf32>
    %get3A_38 = arith.constant 0 : index
    %get3A_39 = arith.constant 0 : index
    %get3A_40 = vector.load %arg6[%get3A_38, %get3A_39] : memref<32x1xf32, #tpu.memory_space<vmem>>, vector<32x1xf32>
    %broadcast_in_dim3A_41 = vector.shape_cast %get3A_40 : vector<32x1xf32> to vector<1x32x1xf32>
    %add3A_42 = vector.broadcast %broadcast_in_dim3A_41 : vector<1x32x1xf32> to vector<39x32x512xf32>
    %add3A_43 = arith.addf %mul3A_37, %add3A_42 : vector<39x32x512xf32>
    %swap3A = arith.constant 0 : index
    %swap3A_44 = arith.constant 0 : index
    %swap3A_45 = arith.constant 0 : index
    %swap3A_46 = arith.constant 0 : index
    %swap3A_47 = vector.load %arg7[%swap3A, %swap3A_44, %swap3A_45, %swap3A_46] : memref<1x39x32x512xf32, #tpu.memory_space<vmem>>, vector<1x39x32x512xf32>
    %swap3A_48 = vector.shape_cast %swap3A_47 : vector<1x39x32x512xf32> to vector<39x32x512xf32>
    %swap3A_49 = vector.shape_cast %add3A_43 : vector<39x32x512xf32> to vector<1x39x32x512xf32>
    tpu.vector_store %arg7[%swap3A, %swap3A_44, %swap3A_45, %swap3A_46], %swap3A_49 {strides = array<i32>} : memref<1x39x32x512xf32, #tpu.memory_space<vmem>>, vector<1x39x32x512xf32>,
    return
  }
  func.func @transform_0(%arg0: i32, %arg1: i32) -> (i32, i32, i32, i32) {
    %c0_i32 = arith.constant 0 : i32
    %c0_i32_0 = arith.constant 0 : i32
    %c0_i32_1 = arith.constant 0 : i32
    return %arg0, %c0_i32, %c0_i32_0, %arg1 : i32, i32, i32, i32
  }
  func.func @transform_1(%arg0: i32, %arg1: i32) -> (i32, i32, i32) {
    %c0_i32 = arith.constant 0 : i32
    %c0_i32_0 = arith.constant 0 : i32
    return %arg0, %c0_i32, %arg1 : i32, i32, i32
  }
  func.func @transform_2(%arg0: i32, %arg1: i32) -> (i32, i32) {
    %c0_i32 = arith.constant 0 : i32
    %c0_i32_0 = arith.constant 0 : i32
    %c0_i32_1 = arith.constant 0 : i32
    return %c0_i32, %c0_i32_0 : i32, i32
  }
  func.func @transform_3(%arg0: i32, %arg1: i32) -> (i32, i32) {
    %c0_i32 = arith.constant 0 : i32
    %c0_i32_0 = arith.constant 0 : i32
    %c0_i32_1 = arith.constant 0 : i32
    return %c0_i32, %c0_i32_0 : i32, i32
  }
  func.func @transform_4(%arg0: i32, %arg1: i32) -> (i32, i32) {
    %c0_i32 = arith.constant 0 : i32
    %c0_i32_0 = arith.constant 0 : i32
    %c0_i32_1 = arith.constant 0 : i32
    return %c0_i32, %c0_i32_0 : i32, i32
  }
  func.func @transform_5(%arg0: i32, %arg1: i32) -> (i32, i32, i32, i32) {
    %c0_i32 = arith.constant 0 : i32
    %c0_i32_0 = arith.constant 0 : i32
    %c0_i32_1 = arith.constant 0 : i32
    return %arg0, %c0_i32, %c0_i32_0, %arg1 : i32, i32, i32, i32
  }
}

</mosaic_0001>

<sc_bundles>
// kernel: kernel.4.cloned.1.call-start
scs
__scs_entry_jumppad:
0x0: {  	(pc) =	sbr.rel $0x88, $3  }
0x1: {  	(tag) =	ssettag $0x0;
	lr =	simm.s32 $0x1  }
0x2: {  	[smem:$0x3F9B] =	sst lr;
	_ =	strace $0xD0000000  }
0x3: {  	_ = 	snop  }
0x4: {  	_ = 	snop  }
0x5: {  	_ = 	snop  }
0x6: {  	_ = 	snop  }
0x7: {  	_ = 	snop  }
__scs_overlays_trampoline_lowered:
0x8: {  	[smem:$0x3FAA] =	sst s0  }
0x9: {  	[smem:$0x3FAB] =	sst s1  }
0xa: {  	[smem:$0x3FAC] =	sst s2  }
0xb: {  	[smem:$0x3FAD] =	sst s3  }
0xc: {  	[smem:$0x3FAE] =	sst s4  }
0xd: {  	[smem:$0x3FAF] =	sst s5  }
0xe: {  	[smem:$0x3FB0] =	sst s6  }
0xf: {  	[smem:$0x3FB1] =	sst s7  }
0x10: {  	[smem:$0x3FB2] =	sst s8  }
0x11: {  	[smem:$0x3FB3] =	sst s9;
	s0 =	simm.s32 @!p0 $0x0  }
0x12: {  	s1 =	sld [smem:$0x3F99];
	s0 =	simm.s32 @p0 $0x1  }
0x13: {  	[smem:$0x3FB4] =	sst s0;
	s0 =	simm.s32 @!p1 $0x0  }
0x14: {  	s2 =	sld [smem:$0x3F98];
	s0 =	simm.s32 @p1 $0x1  }
0x15: {  	[smem:$0x3FB5] =	sst s0;
	s0 =	simm.s32 @!p2 $0x0  }
0x16: {  	s3 =	sld [smem:$0x3FDB];
	s0 =	simm.s32 @p2 $0x1  }
0x17: {  	s4 =	simm.s32 $0x1BF5;
	[smem:$0x3FB7] =	sst s0  }
0x18: {  	s0 =	sld [smem:$0x3F9A];
	_ =	swait.ge [sflag:s4], $0x0  }
0x19: {  	s7 =	sld [smem:$0x3F9B]  }
0x1a: {  	s8 =	sadd.s32 $0xFFFFE003, lr  }
0x1b: {  	s9 =	sadd.s32 $0xFFFFFEF7, lr;
	s5 =	simm.s32 $0xFFFFFFFF;
	p2 =	slt.u32 s8, $0xFFFFF086  }
0x1c: {  	p1 =	slt.u32 s9, $0xF7A;
	s5 =	simm.s32 @!p2 $0x0  }
0x1d: {  	s5 =	simm.s32 @p1 $0x1;
	p0 =	seq.s32 s7, s2  }
0x1e: {  	s7 =	smul.u32 @!p0 $0xF7A, s2;
	p2 =	seq.s32 @!p0 s5, $0x0  }
0x1f: {  	s9 =	smul.u32 $0xF7A, s1;
	s8 =	simm.s32 @!p0 $0x1BF5;
	p2 =	por !p2, p0  }
0x20: {  	[sflag:s8] =	ssyncset.s32 @!p0 $0xFFFFF086;
	s6 =	sadd.s32 @!p0 s3, s7;
	s7 =	simm.s32 @!p0 $0x108  }
0x21: {  	s3 =	sadd.s32 s3, s9;
	s6 =	sadd.s32 @!p0 $0x88, s6;
	s7 =	simm.s32 @p2 $0x1082  }
0x22: {  	[simem:s7], [sflag:s8] =	dma.local @!p0 [hbm:s6], $0xF7A  }
0x23: {  	s9 =	sor.u32 $0xD0000000, s2;
	s6 =	simm.s32 $0x108;
	_ =	swait.ge @!p0 [sflag:s8], $0x0  }
0x24: {  	s3 =	sadd.s32 $0x88, s3;
	s6 =	simm.s32 @!p1 $0x1082;
	[sflag:s4] =	ssyncset.s32 $0xFFFFF086  }
0x25: {  	[simem:s6], [sflag:s4] =	dma.local [hbm:s3], $0xF7A  }
0x26: {  	[smem:$0x3F9B] =	sst s1;
	(tag) =	ssettag s2;
	_ =	strace s9  }
0x27: {  	s1 =	sld [smem:$0x3FAB]  }
0x28: {  	s2 =	sld [smem:$0x3FAC]  }
0x29: {  	s4 =	sld [smem:$0x3FAE]  }
0x2a: {  	p0 =	seq.s32 s5, $0x0;
	s5 =	sld [smem:$0x3FAF]  }
0x2b: {  	s6 =	sld [smem:$0x3FB0]  }
0x2c: {  	s7 =	sld [smem:$0x3FB1]  }
0x2d: {  	s3 =	simm.s32 $0x108;
	s8 =	sld [smem:$0x3FB2]  }
0x2e: {  	s3 =	simm.s32 @!p0 $0x1082;
	s9 =	sld [smem:$0x3FB3]  }
0x2f: {  	lr =	sadd.s32 s0, s3;
	s0 =	sld [smem:$0x3FAA]  }
0x30: {  	s3 =	sld [smem:$0x3FAD]  }
0x31: {  	[smem:$0x3FB6] =	sst s10  }
0x32: {  	s10 =	sld [smem:$0x3FB4];
	_ =	sdelay $0x3  }
0x33: {  	p0 =	seq.s32 s10, $0x1;
	s10 =	sld [smem:$0x3FB6];
	_ =	sdelay $0x3  }
0x34: {  	[smem:$0x3FB6] =	sst s10  }
0x35: {  	s10 =	sld [smem:$0x3FB5];
	_ =	sdelay $0x3  }
0x36: {  	p1 =	seq.s32 s10, $0x1;
	s10 =	sld [smem:$0x3FB6];
	_ =	sdelay $0x3  }
0x37: {  	[smem:$0x3FB6] =	sst s10  }
0x38: {  	s10 =	sld [smem:$0x3FB7]  }
0x39: {  	_ = 	snop;
	(pc) =	sbr.ind lr, $3  }
0x3a: {  	_ = 	snop  }
0x3b: {  	_ = 	snop  }
0x3c: {  	p2 =	seq.s32 s10, $0x1;
	s10 =	sld [smem:$0x3FB6]  }
0x3d: {  	_ =	shalt  }
0x3e: {  	_ =	shalt  }
0x3f: {  	_ =	shalt  }
0x40: {  	_ =	shalt  }
0x41: {  	_ =	shalt  }
0x42: {  	_ =	shalt  }
0x43: {  	_ =	shalt  }
0x44: {  	_ =	shalt  }
0x45: {  	_ =	shalt  }
0x46: {  	_ =	shalt  }
0x47: {  	_ =	shalt  }
0x48: {  	_ =	shalt  }
0x49: {  	_ =	shalt  }
0x4a: {  	_ =	shalt  }
0x4b: {  	_ =	shalt  }
0x4c: {  	_ =	shalt  }
0x4d: {  	_ =	shalt  }
0x4e: {  	_ =	shalt  }
0x4f: {  	_ =	shalt  }
0x50: {  	_ =	shalt  }
0x51: {  	_ =	shalt  }
0x52: {  	_ =	shalt  }
0x53: {  	_ =	shalt  }
0x54: {  	_ =	shalt  }
0x55: {  	_ =	shalt  }
0x56: {  	_ =	shalt  }
0x57: {  	_ =	shalt  }
0x58: {  	_ =	shalt  }
0x59: {  	_ =	shalt  }
0x5a: {  	_ =	shalt  }
0x5b: {  	_ =	shalt  }
0x5c: {  	_ =	shalt  }
0x5d: {  	_ =	shalt  }
0x5e: {  	_ =	shalt  }
0x5f: {  	_ =	shalt  }
0x60: {  	_ =	shalt  }
0x61: {  	_ =	shalt  }
0x62: {  	_ =	shalt  }
0x63: {  	_ =	shalt  }
0x64: {  	_ =	shalt  }
0x65: {  	_ =	shalt  }
0x66: {  	_ =	shalt  }
0x67: {  	_ =	shalt  }
0x68: {  	_ =	shalt  }
0x69: {  	_ =	shalt  }
0x6a: {  	_ =	shalt  }
0x6b: {  	_ =	shalt  }
0x6c: {  	_ =	shalt  }
0x6d: {  	_ =	shalt  }
0x6e: {  	_ =	shalt  }
0x6f: {  	_ =	shalt  }
0x70: {  	_ =	shalt  }
0x71: {  	_ =	shalt  }
0x72: {  	_ =	shalt  }
0x73: {  	_ =	shalt  }
0x74: {  	_ =	shalt  }
0x75: {  	_ =	shalt  }
0x76: {  	_ =	shalt  }
0x77: {  	_ =	shalt  }
0x78: {  	_ =	shalt  }
0x79: {  	_ =	shalt  }
0x7a: {  	_ =	shalt  }
0x7b: {  	_ =	shalt  }
0x7c: {  	_ =	shalt  }
0x7d: {  	_ =	shalt  }
0x7e: {  	_ =	shalt  }
0x7f: {  	_ =	shalt  }
0x80: {  	_ =	shalt  }
0x81: {  	_ =	shalt  }
0x82: {  	_ =	shalt  }
0x83: {  	_ =	shalt  }
0x84: {  	_ =	shalt  }
0x85: {  	_ =	shalt  }
0x86: {  	_ =	shalt  }
0x87: {  	_ =	shalt  }
.Lfunc_end0:
.L_simem_size_0:
called_computation_lowered:
.L_overlay_start_0:
0x88: {  	s2 =	sld [smem:$0x3FD9]  }
0x89: {  	s3 =	sld [smem:$0x3FFE];
	_ =	sdelay $0x1  }
0x8a: {  	s1 =	srdreg.scid  }
0x8b: {  	s0 =	sand.u32 $0x1, s1  }
0x8c: {  	s17 =	sshll.u32 s0, $0xA;
	s2 =	sadd.s32 s3, s2  }
0x8d: {  	s2 =	sadd.s32 s2, s17  }
0x8e: {  	[smem:$0x3FC2] =	sst s2  }
0x8f: {  	_ = 	snop  }
0x90: {  	s2 =	sld [smem:$0x3FD0];
	(tm) =	ssettm $0x1  }
0x91: {  	s18 =	sld [smem:$0x3FFB];
	_ =	sdelay $0x3  }
0x92: {  	_ =	strace s18  }
0x93: {  	s3 =	sld [smem:$0x3FFC];
	_ =	sdelay $0x3  }
0x94: {  	_ =	strace s3  }
0x95: {  	s3 =	sld [smem:$0x3FFD];
	_ =	sdelay $0x3  }
0x96: {  	_ =	strace s3  }
0x97: {  	_ =	strace $0x8FFFFFFF  }
0x98: {  	s19 =	sld [smem:$0x3FDB];
	_ =	sdelay $0x1  }
0x99: {  	s4 =	simm.s32 $_scs_section_size  }
0x9a: {  	s5 =	simm.s32 $_size__tile_overlayer_lowered;
	s6 =	simm.s32 $_tile_overlayer_lowered  }
0x9b: {  	s22 =	simm.s32 $0x1BFF;
	s21 =	sshll.u32 s6, $0x1;
	s3 =	sadd.s32 s4, s19  }
0x9c: {  	s7 =	simm.s32 $0x0;
	s20 =	sshll.u32 s5, $0x1;
	s5 =	sadd.s32 s21, s3  }
0x9d: {  	[timem:s7], [sflag:s22] =	dma.local [hbm:s5], s20  }
0x9e: {  	_ =	swait.ge [sflag:s22], s20  }
0x9f: {  	s4 =	ssub.s32 $0x0, s20;
	[sflag:s22] =	ssyncset.done $0x0  }
0xa0: {  	[sflag:s22] =	ssyncadd.s32 s4;
	_ =	sdelay $0x1  }
0xa1: {  	s23 =	simm.s32 $0x1B8B  }
0xa2: {  	_ =	swait.ge [sflag:s23], $0x1  }
0xa3: {  	[sflag:s23] =	ssyncset.done $0x0  }
0xa4: {  	s25 =	simm.s32 $0x1B8E;
	s24 =	sld [smem:$0x3FFE];
	[sflag:s23] =	ssyncadd.s32 $0xFFFFFFFF  }
0xa5: {  	s26 =	simm.s32 $execute0_lowered;
	[smem:$0x3FD2] =	sst s25  }
0xa6: {  	s5 =	sshll.u32 s26, $0x1;
	_ =	strace $0x80000046;
	[dreg:$0x1] =	wrdreg $0xFFFFFFFF  }
0xa7: {  	s28 =	simm.s32 $_size_execute0_lowered;
	s3 =	sadd.s32 s3, s5;
	[dreg:$0x0] =	wrdreg $0x0  }
0xa8: {  	s5 =	sshll.u32 s28, $0x1;
	[dreg:$0x2] =	wrdreg s3  }
0xa9: {  	[dreg:$0x3] =	wrdreg s5  }
0xaa: {  	[dreg:$0x4] =	wrdreg $0xC0  }
0xab: {  	_ =	task [dreg:s7], $0x5FFFF  }
0xac: {  	[dreg:$0x1] =	wrdreg $0xFFFFFFFF  }
0xad: {  	[dreg:$0x0] =	wrdreg $0x60  }
0xae: {  	[dreg:$0x2] =	wrdreg s24  }
0xaf: {  	[dreg:$0x3] =	wrdreg s2  }
0xb0: {  	[dreg:$0x4] =	wrdreg $0x9  }
0xb1: {  	_ =	task.clear_ibuf [dreg:s7], $0x5FFFF;
	_ =	strace $0x90000046  }
0xb2: {  	s29 =	simm.s32 $0x9;
	_ =	strace $0x80000048  }
0xb3: {  	_ =	swait.ge [sflag:s29], $0x1  }
0xb4: {  	[sflag:s29] =	ssyncadd.s32 $0xFFFFFFFF  }
0xb5: {  	_ =	strace $0x90000048  }
0xb6: {  	_ =	sfence  }
0xb7: {  	s30 =	sld [smem:$0x0];
	_ =	sdelay $0x2  }
0xb8: {  	s31 =	sshll.u32 s1, $0xD;
	s1 =	sshrl.u32 s1, $0x2  }
0xb9: {  	s3 =	sand.u32 $0x4000, s31;
	s1 =	sadd.s32 s1, s30  }
0xba: {  	s0 =	sor.u32 s3, s0;
	s1 =	sshll.u32 s1, $0x11  }
0xbb: {  	s0 =	sor.u32 s1, s0  }
0xbc: {  	s0 =	sadd.s32 $0x8F2B, s0  }
0xbd: {  	[sflag:s0] =	ssyncadd.remote.s32 $0x1  }
0xbe: {  	_ =	sfence.sel $0xFFFF  }
0xbf: {  	[dreg:$0x0] =	wrdreg $0xFFFFFFFF;
	(pc) =	sbr.abs _section_cstart, $3  }
0xc0: {  	[dreg:$0x1] =	wrdreg $0xFFFFFFFF  }
0xc1: {  	_ =	task.clear_ibuf [dreg:s7], $0x2FFFF;
	_ =	strace $0x9FFFFFFF  }
0xc2: {  	(tm) =	ssettm $0x7FFFFFFF  }
0xc3: {  	_ =	shalt  }
tec
execute0_lowered:
.L_overlay_start_1:
0x0: {  	(tag) =	ssettag $0x1  }
0x1: {  	s0 =	rddreg [dreg:$0x0]  }
0x2: {  	s1 =	srdreg.scid;
	s3 =	simm.s32 $0x0;
	s7 =	stileid.u32  }
0x3: {  	s13 =	simm.s32 $0x80;
	s16 =	simm.s32 $0x100;
	s18 =	simm.s32 $0x180  }
0x4: {  	s20 =	simm.s32 $0x200;
	s22 =	simm.s32 $0x280;
	s24 =	simm.s32 $0x300  }
0x5: {  	s11 =	simm.s32 $0x1;
	s15 =	simm.s32 $0x400;
	s19 =	simm.s32 $0x480  }
0x6: {  	s23 =	simm.s32 $0x500;
	s28 =	simm.s32 $0x580;
	s30 =	simm.s32 $0x600  }
0x7: {  	s10 =	simm.s32 $0x780;
	s8 =	sand.u32 $0x1, s1;
	[smem:$0x7FF] =	sst s3  }
0x8: {  	s2 =	smul.u32 $0x61A800, s7;
	s6 =	sadd.s32 $0x9EC000, s0;
	s26 =	sshll.u32 s7, $0x1  }
0x9: {  	s1 =	ssub.s32 $0x2, s8;
	_ =	strace $0x80000047;
	[dreg:$0x4] =	wrdreg s6  }
0xa: {  	s5 =	smul.u32 $0x30D400, s8;
	[dreg:$0x3] =	wrdreg s8;
	s4 =	sshrl.u32 s1, $0x1  }
0xb: {  	s6 =	sadd.s32 $0xE00, s0;
	[dreg:$0x5] =	wrdreg s26;
	s25 =	ssub.s32 s1, s4  }
.Ltmp0:
0xc: {  	s29 =	sadd.s32 s5, s2;
	s0 =	smax.u32 s25, $0x1;
	(pc) =	sbr.rel .LBB2_1-.Ltmp0, $4  }
0xd: {  	s31 =	sor.u32 s8, s26;
	s2 =	sadd.s32 $0x61A80, s29;
	[dreg:$0x6] =	wrdreg s0  }
0xe: {  	s26 =	simm.s32 $0x380;
	[dreg:$0x7] =	wrdreg s2;
	s0 =	sadd.s32 $0x6209A80, s29  }
0xf: {  	s8 =	simm.s32 $0x700;
	[dreg:$0x8] =	wrdreg s0;
	s0 =	sor.u32 $0x20, s31  }
0x10: {  	s4 =	simm.s32 $0x0;
	[dreg:$0x9] =	wrdreg s0;
	s0 =	simm.s32 $0x680  }
.LBB2_11:
0x11: {  	s2 =	simm.s32 $0x2  }
0x12: {  	_ =	swait.ge [sflag:s2], $0x8000  }
0x13: {  	[sflag:s2] =	ssyncset.done $0x0  }
0x14: {  	[sflag:s2] =	ssyncadd.s32 $0xFFFF8000  }
0x15: {  	_ =	swait.ge [sflag:s2], $0x8000  }
0x16: {  	s4 =	rddreg [dreg:$0xa]  }
0x17: {  	s1 =	rddreg [dreg:$0x6];
	s4 =	sadd.s32 $0x1, s4  }
0x18: {  	p0 =	sne.s32 s4, s1  }
.Ltmp1:
0x19: {  	_ = 	snop;
	(pc) =	sbr.rel @!p0 .LBB2_12-.Ltmp1, $3  }
0x1a: {  	_ =	sdelay $0x1  }
0x1b: {  	[sflag:s2] =	ssyncset.done $0x0  }
0x1c: {  	[sflag:s2] =	ssyncadd.s32 $0xFFFF8000  }
.LBB2_1:
.Ltmp2:
0x1d: {  	[dreg:$0xa] =	wrdreg s4;
	(pc) =	sbr.rel .LBB2_2-.Ltmp2, $4  }
0x1e: {  	s25 =	rddreg [dreg:$0x9]  }
0x1f: {  	s29 =	rddreg [dreg:$0x8]  }
0x20: {  	s7 =	rddreg [dreg:$0x5]  }
0x21: {  	s1 =	rddreg [dreg:$0x7];
	s9 =	simm.s32 $0x0  }
.LBB2_10:
0x22: {  	s9 =	sadd.s32 $0x1, s9  }
0x23: {  	p0 =	sne.s32 s9, $0x9  }
.Ltmp3:
0x24: {  	_ = 	snop;
	(pc) =	sbr.rel @!p0 .LBB2_11-.Ltmp3, $3  }
0x25: {  	_ =	sdelay $0x1  }
0x26: {  	s1 =	sadd.s32 $0xC350000, s1  }
0x27: {  	s7 =	sadd.s32 $0x40, s7;
	s29 =	sadd.s32 $0xC350000, s29;
	s25 =	sadd.s32 $0x40, s25  }
.LBB2_2:
0x28: {  	s2 =	sshll.u32 s9, $0x6;
	s4 =	rddreg [dreg:$0x5]  }
0x29: {  	s2 =	sor.u32 s2, s4  }
0x2a: {  	p0 =	sgt.u32 s2, $0x207  }
.Ltmp4:
0x2b: {  	_ = 	snop;
	(pc) =	sbr.rel @p0 .LBB2_6-.Ltmp4, $3  }
0x2c: {  	_ =	sdelay $0x1  }
0x2d: {  	s31 =	rddreg [dreg:$0x3]  }
0x2e: {  	s21 =	sor.u32 s31, s2  }
0x2f: {  	s2 =	smul.u32 $0x4EC5, s2;
	_ =	sdelay $0x1  }
0x30: {  	s2 =	sshrl.u32 s2, $0x13  }
0x31: {  	s4 =	smul.u32 $0xFFFFFFE6, s2;
	_ =	sdelay $0x1  }
0x32: {  	s12 =	sadd.s32 s21, s4  }
0x33: {  	p0 =	seq.s32 s9, $0x0;
	s4 =	smul.u32 $0x5000, s12  }
0x34: {  	s5 =	simm.s32 @!p0 $0x2;
	[dreg:$0xb] =	wrdreg s2;
	s17 =	sshll.u32 s2, $0xA  }
0x35: {  	_ =	swait.ge @!p0 [sflag:s5], $0x8000;
	s4 =	sadd.s32 s17, s4  }
0x36: {  	[sflag:s5] =	ssyncset.done @!p0 $0x0;
	s17 =	rddreg [dreg:$0x4];
	s4 =	sshrl.u32 s4, $0x3  }
0x37: {  	[sflag:s5] =	ssyncadd.s32 @!p0 $0xFFFF8000;
	s5 =	simm.s32 $0x0;
	s4 =	sadd.s32 s17, s4  }
0x38: {  	[tilespmem:s5], [sflag:$0x3] =	stream.linear.gather [hbm4b:s4+s5], $0x400, $0x38;
	[tilespmem:$0x10800] =	vst v63  }
0x39: {  	s31 =	simm.s32 $0x3;
	[dreg:$0xc] =	wrdreg s12;
	s4 =	smul.u32 $0x30D400, s12  }
0x3a: {  	_ =	swait.ge [sflag:s31], $0x400  }
0x3b: {  	[sflag:s31] =	ssyncset.done $0x0;
	s12 =	sshrl.u32 s4, $0x3  }
0x3c: {  	s14 =	simm.s32 $0x800;
	[sflag:s31] =	ssyncadd.s32 $0xFFFFFC00;
	s17 =	sadd.s32 s6, s12  }
0x3d: {  	[tilespmem:s14], [sflag:$0x1] =	stream.indirect.gather [hbm4b:s17+s13], $0x1, s5, s13, $0xb8;
	[tilespmem:$0x10800] =	vst v63  }
0x3e: {  	s31 =	simm.s32 $0x880  }
0x3f: {  	[tilespmem:s31], [sflag:$0x1] =	stream.indirect.gather [hbm4b:s17+s13], $0x1, s13, s13, $0xb8;
	[tilespmem:$0x10800] =	vst v63  }
0x40: {  	s12 =	simm.s32 $0x900  }
0x41: {  	[tilespmem:s12], [sflag:$0x1] =	stream.indirect.gather [hbm4b:s17+s13], $0x1, s16, s13, $0xb8;
	[tilespmem:$0x10800] =	vst v63  }
0x42: {  	s14 =	simm.s32 $0x980  }
0x43: {  	[tilespmem:s14], [sflag:$0x1] =	stream.indirect.gather [hbm4b:s17+s13], $0x1, s18, s13, $0xb8;
	[tilespmem:$0x10800] =	vst v63  }
0x44: {  	s31 =	simm.s32 $0xA00  }
0x45: {  	[tilespmem:s31], [sflag:$0x1] =	stream.indirect.gather [hbm4b:s17+s13], $0x1, s20, s13, $0xb8;
	[tilespmem:$0x10800] =	vst v63  }
0x46: {  	s12 =	simm.s32 $0xA80  }
0x47: {  	[tilespmem:s12], [sflag:$0x1] =	stream.indirect.gather [hbm4b:s17+s13], $0x1, s22, s13, $0xb8;
	[tilespmem:$0x10800] =	vst v63  }
0x48: {  	s14 =	simm.s32 $0xB00  }
0x49: {  	[tilespmem:s14], [sflag:$0x1] =	stream.indirect.gather [hbm4b:s17+s13], $0x1, s24, s13, $0xb8;
	[tilespmem:$0x10800] =	vst v63  }
0x4a: {  	s31 =	simm.s32 $0xB80;
	s12 =	sadd.s32 $0x186A0, s4  }
0x4b: {  	[tilespmem:s31], [sflag:$0x1] =	stream.indirect.gather [hbm4b:s17+s13], $0x1, s26, s13, $0xb8;
	[tilespmem:$0x10800] =	vst v63  }
0x4c: {  	s17 =	sshrl.u32 s12, $0x3  }
0x4d: {  	s14 =	simm.s32 $0xC00;
	s17 =	sadd.s32 s6, s17  }
0x4e: {  	[tilespmem:s14], [sflag:$0x1] =	stream.indirect.gather [hbm4b:s17+s13], $0x1, s5, s13, $0xb8;
	[tilespmem:$0x10800] =	vst v63  }
0x4f: {  	s31 =	simm.s32 $0xC80  }
0x50: {  	[tilespmem:s31], [sflag:$0x1] =	stream.indirect.gather [hbm4b:s17+s13], $0x1, s13, s13, $0xb8;
	[tilespmem:$0x10800] =	vst v63  }
0x51: {  	s12 =	simm.s32 $0xD00  }
0x52: {  	[tilespmem:s12], [sflag:$0x1] =	stream.indirect.gather [hbm4b:s17+s13], $0x1, s16, s13, $0xb8;
	[tilespmem:$0x10800] =	vst v63  }
0x53: {  	s14 =	simm.s32 $0xD80  }
0x54: {  	[tilespmem:s14], [sflag:$0x1] =	stream.indirect.gather [hbm4b:s17+s13], $0x1, s18, s13, $0xb8;
	[tilespmem:$0x10800] =	vst v63  }
0x55: {  	s31 =	simm.s32 $0xE00  }
0x56: {  	[tilespmem:s31], [sflag:$0x1] =	stream.indirect.gather [hbm4b:s17+s13], $0x1, s20, s13, $0xb8;
	[tilespmem:$0x10800] =	vst v63  }
0x57: {  	s12 =	simm.s32 $0xE80  }
0x58: {  	[tilespmem:s12], [sflag:$0x1] =	stream.indirect.gather [hbm4b:s17+s13], $0x1, s22, s13, $0xb8;
	[tilespmem:$0x10800] =	vst v63  }
0x59: {  	s14 =	simm.s32 $0xF00  }
0x5a: {  	[tilespmem:s14], [sflag:$0x1] =	stream.indirect.gather [hbm4b:s17+s13], $0x1, s24, s13, $0xb8;
	[tilespmem:$0x10800] =	vst v63  }
0x5b: {  	s2 =	sadd.s32 $0x30D40, s4;
	s31 =	simm.s32 $0xF80  }
0x5c: {  	[tilespmem:s31], [sflag:$0x1] =	stream.indirect.gather [hbm4b:s17+s13], $0x1, s26, s13, $0xb8;
	[tilespmem:$0x10800] =	vst v63  }
0x5d: {  	s17 =	sshrl.u32 s2, $0x3  }
0x5e: {  	s12 =	simm.s32 $0x1000;
	s17 =	sadd.s32 s6, s17  }
0x5f: {  	[tilespmem:s12], [sflag:$0x1] =	stream.indirect.gather [hbm4b:s17+s13], $0x1, s5, s13, $0xb8;
	[tilespmem:$0x10800] =	vst v63  }
0x60: {  	s14 =	simm.s32 $0x1080  }
0x61: {  	[tilespmem:s14], [sflag:$0x1] =	stream.indirect.gather [hbm4b:s17+s13], $0x1, s13, s13, $0xb8;
	[tilespmem:$0x10800] =	vst v63  }
0x62: {  	s31 =	simm.s32 $0x1100  }
0x63: {  	[tilespmem:s31], [sflag:$0x1] =	stream.indirect.gather [hbm4b:s17+s13], $0x1, s16, s13, $0xb8;
	[tilespmem:$0x10800] =	vst v63  }
0x64: {  	s12 =	simm.s32 $0x1180  }
0x65: {  	[tilespmem:s12], [sflag:$0x1] =	stream.indirect.gather [hbm4b:s17+s13], $0x1, s18, s13, $0xb8;
	[tilespmem:$0x10800] =	vst v63  }
0x66: {  	s14 =	simm.s32 $0x1200  }
0x67: {  	[tilespmem:s14], [sflag:$0x1] =	stream.indirect.gather [hbm4b:s17+s13], $0x1, s20, s13, $0xb8;
	[tilespmem:$0x10800] =	vst v63  }
0x68: {  	s31 =	simm.s32 $0x1280  }
0x69: {  	[tilespmem:s31], [sflag:$0x1] =	stream.indirect.gather [hbm4b:s17+s13], $0x1, s22, s13, $0xb8;
	[tilespmem:$0x10800] =	vst v63  }
0x6a: {  	s4 =	sadd.s32 $0x493E0, s4;
	s12 =	simm.s32 $0x1300  }
0x6b: {  	[tilespmem:s12], [sflag:$0x1] =	stream.indirect.gather [hbm4b:s17+s13], $0x1, s24, s13, $0xb8;
	[tilespmem:$0x10800] =	vst v63  }
0x6c: {  	s4 =	sshrl.u32 s4, $0x3;
	s14 =	simm.s32 $0x1380  }
0x6d: {  	[tilespmem:s14], [sflag:$0x1] =	stream.indirect.gather [hbm4b:s17+s13], $0x1, s26, s13, $0xb8;
	[tilespmem:$0x10800] =	vst v63  }
0x6e: {  	s4 =	sadd.s32 s6, s4;
	s17 =	simm.s32 $0x1400  }
0x6f: {  	[tilespmem:s17], [sflag:$0x1] =	stream.indirect.gather [hbm4b:s4+s13], $0x1, s5, s13, $0xb8;
	[tilespmem:$0x10800] =	vst v63  }
0x70: {  	s31 =	simm.s32 $0x1480  }
0x71: {  	[tilespmem:s31], [sflag:$0x1] =	stream.indirect.gather [hbm4b:s4+s13], $0x1, s13, s13, $0xb8;
	[tilespmem:$0x10800] =	vst v63  }
0x72: {  	s5 =	simm.s32 $0x1500  }
0x73: {  	[tilespmem:s5], [sflag:$0x1] =	stream.indirect.gather [hbm4b:s4+s13], $0x1, s16, s13, $0xb8;
	[tilespmem:$0x10800] =	vst v63  }
0x74: {  	s12 =	simm.s32 $0x1580;
	s14 =	smulhi.u32 $0x4EC4EC4F, s7  }
0x75: {  	[tilespmem:s12], [sflag:$0x1] =	stream.indirect.gather [hbm4b:s4+s13], $0x1, s18, s13, $0xb8;
	[tilespmem:$0x10800] =	vst v63  }
0x76: {  	s17 =	simm.s32 $0x1600;
	s5 =	sshrl.u32 s14, $0x3  }
0x77: {  	[tilespmem:s17], [sflag:$0x1] =	stream.indirect.gather [hbm4b:s4+s13], $0x1, s20, s13, $0xb8;
	[tilespmem:$0x10800] =	vst v63  }
0x78: {  	s31 =	simm.s32 $0x1680;
	s5 =	smul.u32 $0x4F58800, s5  }
0x79: {  	[tilespmem:s31], [sflag:$0x1] =	stream.indirect.gather [hbm4b:s4+s13], $0x1, s22, s13, $0xb8;
	[tilespmem:$0x10800] =	vst v63  }
0x7a: {  	s12 =	simm.s32 $0x1700;
	s31 =	ssub.s32 s1, s5  }
0x7b: {  	[tilespmem:s12], [sflag:$0x1] =	stream.indirect.gather [hbm4b:s4+s13], $0x1, s24, s13, $0xb8;
	[tilespmem:$0x10800] =	vst v63  }
0x7c: {  	s14 =	simm.s32 $0x1780;
	s17 =	sshrl.u32 s31, $0x3  }
0x7d: {  	[tilespmem:s14], [sflag:$0x1] =	stream.indirect.gather [hbm4b:s4+s13], $0x1, s26, s13, $0xb8;
	[tilespmem:$0x10800] =	vst v63  }
0x7e: {  	s2 =	simm.s32 $0x1800;
	s4 =	sadd.s32 s6, s17  }
0x7f: {  	[tilespmem:s2], [sflag:$0x1] =	stream.indirect.gather [hbm4b:s4+s13], $0x1, s3, s13, $0xb8;
	[tilespmem:$0x10800] =	vst v63  }
0x80: {  	s12 =	simm.s32 $0x1880  }
0x81: {  	[tilespmem:s12], [sflag:$0x1] =	stream.indirect.gather [hbm4b:s4+s13], $0x1, s13, s13, $0xb8;
	[tilespmem:$0x10800] =	vst v63  }
0x82: {  	s14 =	simm.s32 $0x1900  }
0x83: {  	[tilespmem:s14], [sflag:$0x1] =	stream.indirect.gather [hbm4b:s4+s13], $0x1, s16, s13, $0xb8;
	[tilespmem:$0x10800] =	vst v63  }
0x84: {  	s17 =	simm.s32 $0x1980  }
0x85: {  	[tilespmem:s17], [sflag:$0x1] =	stream.indirect.gather [hbm4b:s4+s13], $0x1, s18, s13, $0xb8;
	[tilespmem:$0x10800] =	vst v63  }
0x86: {  	s2 =	simm.s32 $0x1A00  }
0x87: {  	[tilespmem:s2], [sflag:$0x1] =	stream.indirect.gather [hbm4b:s4+s13], $0x1, s20, s13, $0xb8;
	[tilespmem:$0x10800] =	vst v63  }
0x88: {  	s12 =	simm.s32 $0x1A80  }
0x89: {  	[tilespmem:s12], [sflag:$0x1] =	stream.indirect.gather [hbm4b:s4+s13], $0x1, s22, s13, $0xb8;
	[tilespmem:$0x10800] =	vst v63  }
0x8a: {  	s14 =	simm.s32 $0x1B00  }
0x8b: {  	[tilespmem:s14], [sflag:$0x1] =	stream.indirect.gather [hbm4b:s4+s13], $0x1, s24, s13, $0xb8;
	[tilespmem:$0x10800] =	vst v63  }
0x8c: {  	s17 =	simm.s32 $0x1B80  }
0x8d: {  	[tilespmem:s17], [sflag:$0x1] =	stream.indirect.gather [hbm4b:s4+s13], $0x1, s26, s13, $0xb8;
	[tilespmem:$0x10800] =	vst v63  }
0x8e: {  	s5 =	simm.s32 $0x2000;
	_ =	swait.ge [sflag:s11], $0x400  }
0x8f: {  	s17 =	simm.s32 $0x1000;
	s4 =	sadd.s32 $0x186A0, s31;
	[sflag:s11] =	ssyncset.done $0x0  }
.LBB2_4:
0x90: {  	s31 =	sshra.s32 s17, $0x2  }
0x91: {  	s12 =	sshrl.u32 s4, $0x3;
	[sflag:s11] =	ssyncadd.s32 $0xFFFFFC00;
	s17 =	smov.u32 s5  }
0x92: {  	s2 =	sadd.s32 $0x1000, s5;
	s14 =	sadd.s32 $0x1800, s31;
	s12 =	sadd.s32 s6, s12  }
0x93: {  	[tilespmem:s14], [sflag:$0x1] =	stream.indirect.gather [hbm4b:s12+s13], $0x1, s3, s13, $0xb8;
	[tilespmem:$0x10800] =	vst v63  }
0x94: {  	p0 =	sne.s32 s5, $0x1B000;
	s5 =	sadd.s32 $0x1880, s31  }
0x95: {  	[tilespmem:s5], [sflag:$0x1] =	stream.indirect.gather [hbm4b:s12+s13], $0x1, s13, s13, $0xb8;
	[tilespmem:$0x10800] =	vst v63  }
0x96: {  	s5 =	sadd.s32 $0x1900, s31  }
0x97: {  	[tilespmem:s5], [sflag:$0x1] =	stream.indirect.gather [hbm4b:s12+s13], $0x1, s16, s13, $0xb8;
	[tilespmem:$0x10800] =	vst v63  }
0x98: {  	s5 =	sadd.s32 $0x1980, s31  }
0x99: {  	[tilespmem:s5], [sflag:$0x1] =	stream.indirect.gather [hbm4b:s12+s13], $0x1, s18, s13, $0xb8;
	[tilespmem:$0x10800] =	vst v63  }
0x9a: {  	s5 =	sadd.s32 $0x1A00, s31  }
0x9b: {  	[tilespmem:s5], [sflag:$0x1] =	stream.indirect.gather [hbm4b:s12+s13], $0x1, s20, s13, $0xb8;
	[tilespmem:$0x10800] =	vst v63  }
0x9c: {  	s5 =	sadd.s32 $0x1A80, s31  }
0x9d: {  	[tilespmem:s5], [sflag:$0x1] =	stream.indirect.gather [hbm4b:s12+s13], $0x1, s22, s13, $0xb8;
	[tilespmem:$0x10800] =	vst v63  }
0x9e: {  	s5 =	sadd.s32 $0x1B00, s31  }
0x9f: {  	[tilespmem:s5], [sflag:$0x1] =	stream.indirect.gather [hbm4b:s12+s13], $0x1, s24, s13, $0xb8;
	[tilespmem:$0x10800] =	vst v63  }
.Ltmp5:
0xa0: {  	_ = 	snop;
	(pc) =	sbr.rel @p0 .LBB2_4-.Ltmp5, $4  }
0xa1: {  	s5 =	sadd.s32 $0x1B80, s31  }
0xa2: {  	[tilespmem:s5], [sflag:$0x1] =	stream.indirect.gather [hbm4b:s12+s13], $0x1, s26, s13, $0xb8;
	[tilespmem:$0x10800] =	vst v63  }
0xa3: {  	_ =	swait.ge [sflag:s11], $0x400  }
0xa4: {  	s4 =	sadd.s32 $0x186A0, s4;
	s5 =	smov.u32 s2;
	[sflag:s11] =	ssyncset.done $0x0  }
0xa5: {  	s2 =	sshra.s32 s17, $0x2;
	s4 =	sshrl.u32 s4, $0x3  }
0xa6: {  	[sflag:s11] =	ssyncadd.s32 $0xFFFFFC00;
	s5 =	sadd.s32 $0x1800, s2;
	s4 =	sadd.s32 s6, s4  }
0xa7: {  	[tilespmem:s5], [sflag:$0x1] =	stream.indirect.gather [hbm4b:s4+s13], $0x1, s3, s13, $0xb8;
	[tilespmem:$0x10800] =	vst v63  }
0xa8: {  	s17 =	sadd.s32 $0x1880, s2  }
0xa9: {  	[tilespmem:s17], [sflag:$0x1] =	stream.indirect.gather [hbm4b:s4+s13], $0x1, s13, s13, $0xb8;
	[tilespmem:$0x10800] =	vst v63  }
0xaa: {  	s31 =	sadd.s32 $0x1900, s2  }
0xab: {  	[tilespmem:s31], [sflag:$0x1] =	stream.indirect.gather [hbm4b:s4+s13], $0x1, s16, s13, $0xb8;
	[tilespmem:$0x10800] =	vst v63  }
0xac: {  	s12 =	sadd.s32 $0x1980, s2  }
0xad: {  	[tilespmem:s12], [sflag:$0x1] =	stream.indirect.gather [hbm4b:s4+s13], $0x1, s18, s13, $0xb8;
	[tilespmem:$0x10800] =	vst v63  }
0xae: {  	s14 =	sadd.s32 $0x1A00, s2  }
0xaf: {  	[tilespmem:s14], [sflag:$0x1] =	stream.indirect.gather [hbm4b:s4+s13], $0x1, s20, s13, $0xb8;
	[tilespmem:$0x10800] =	vst v63  }
0xb0: {  	s17 =	sadd.s32 $0x1A80, s2  }
0xb1: {  	[tilespmem:s17], [sflag:$0x1] =	stream.indirect.gather [hbm4b:s4+s13], $0x1, s22, s13, $0xb8;
	[tilespmem:$0x10800] =	vst v63  }
0xb2: {  	s31 =	sadd.s32 $0x1B00, s2  }
0xb3: {  	[tilespmem:s31], [sflag:$0x1] =	stream.indirect.gather [hbm4b:s4+s13], $0x1, s24, s13, $0xb8;
	[tilespmem:$0x10800] =	vst v63  }
0xb4: {  	s2 =	sadd.s32 $0x1B80, s2  }
0xb5: {  	[tilespmem:s2], [sflag:$0x1] =	stream.indirect.gather [hbm4b:s4+s13], $0x1, s26, s13, $0xb8;
	[tilespmem:$0x10800] =	vst v63  }
0xb6: {  	_ =	swait.ge [sflag:s11], $0x400  }
0xb7: {  	[sflag:s11] =	ssyncset.done $0x0  }
0xb8: {  	[sflag:s11] =	ssyncadd.s32 $0xFFFFFC00  }
0xb9: {  	_ =	swait.ge [sflag:s11], $0x400  }
0xba: {  	[sflag:s11] =	ssyncset.done $0x0  }
0xbb: {  	[sflag:s11] =	ssyncadd.s32 $0xFFFFFC00  }
0xbc: {  	_ =	swait.ge [sflag:s11], $0x400  }
0xbd: {  	[sflag:s11] =	ssyncset.done $0x0  }
0xbe: {  	[sflag:s11] =	ssyncadd.s32 $0xFFFFFC00  }
0xbf: {  	_ =	swait.ge [sflag:s11], $0x400  }
0xc0: {  	[sflag:s11] =	ssyncset.done $0x0  }
0xc1: {  	s12 =	rddreg [dreg:$0xb];
	[sflag:s11] =	ssyncadd.s32 $0xFFFFFC00  }
0xc2: {  	s14 =	rddreg [dreg:$0xc];
	s2 =	smul.u32 $0xD0000, s12;
	_ =	swait.ge [sflag:s11], $0x400  }
0xc3: {  	s4 =	sshll.u32 s14, $0xF;
	[sflag:s11] =	ssyncset.done $0x0  }
0xc4: {  	s2 =	sadd.s32 s2, s4;
	[sflag:s11] =	ssyncadd.s32 $0xFFFFFC00  }
0xc5: {  	s2 =	sshrl.u32 s2, $0x3;
	s17 =	rddreg [dreg:$0x1]  }
0xc6: {  	s31 =	simm.s32 $0x800;
	s2 =	sadd.s32 s17, s2  }
0xc7: {  	[hbm4b:s2+s3] =	stream.linear.scatter [tilespmem:s31], [sflag:$0x2], $0x8000, $0x38;
	[tilespmem:$0x10800] =	vst v63  }
.LBB2_6:
0xc8: {  	s4 =	sor.u32 $0x20, s21  }
0xc9: {  	p0 =	sgt.u32 s4, $0x207  }
.Ltmp6:
0xca: {  	_ = 	snop;
	(pc) =	sbr.rel @p0 .LBB2_10-.Ltmp6, $1  }
0xcb: {  	_ =	sdelay $0x3  }
0xcc: {  	s2 =	smul.u32 $0x4EC5, s4;
	_ =	sdelay $0x1  }
0xcd: {  	s2 =	sshrl.u32 s2, $0x13  }
0xce: {  	s5 =	smul.u32 $0xFFFFFFE6, s2;
	_ =	sdelay $0x1  }
0xcf: {  	s14 =	sadd.s32 s4, s5  }
0xd0: {  	p0 =	seq.s32 s9, $0x0;
	s4 =	smul.u32 $0x5000, s14  }
0xd1: {  	[dreg:$0xd] =	wrdreg s2;
	s12 =	sshll.u32 s2, $0xA;
	s5 =	simm.s32 @!p0 $0x2  }
0xd2: {  	_ =	swait.ge @!p0 [sflag:s5], $0x8000;
	s4 =	sadd.s32 s12, s4  }
0xd3: {  	[sflag:s5] =	ssyncset.done @!p0 $0x0;
	s31 =	rddreg [dreg:$0x4];
	s4 =	sshrl.u32 s4, $0x3  }
0xd4: {  	s2 =	simm.s32 $0x0;
	[sflag:s5] =	ssyncadd.s32 @!p0 $0xFFFF8000;
	s4 =	sadd.s32 s31, s4  }
0xd5: {  	[tilespmem:s15], [sflag:$0x3] =	stream.linear.gather [hbm4b:s4+s2], $0x400, $0x38;
	[tilespmem:$0x10800] =	vst v63  }
0xd6: {  	s5 =	simm.s32 $0x3;
	s4 =	smul.u32 $0x30D400, s14  }
0xd7: {  	_ =	swait.ge [sflag:s5], $0x400  }
0xd8: {  	[sflag:s5] =	ssyncset.done $0x0;
	s12 =	sshrl.u32 s4, $0x3  }
0xd9: {  	s17 =	simm.s32 $0x8800;
	[sflag:s5] =	ssyncadd.s32 $0xFFFFFC00;
	s5 =	sadd.s32 s6, s12  }
0xda: {  	[tilespmem:s17], [sflag:$0x1] =	stream.indirect.gather [hbm4b:s5+s13], $0x1, s15, s13, $0xb8;
	[tilespmem:$0x10800] =	vst v63  }
0xdb: {  	s21 =	simm.s32 $0x8880  }
0xdc: {  	[tilespmem:s21], [sflag:$0x1] =	stream.indirect.gather [hbm4b:s5+s13], $0x1, s19, s13, $0xb8;
	[tilespmem:$0x10800] =	vst v63  }
0xdd: {  	s31 =	simm.s32 $0x8900  }
0xde: {  	[tilespmem:s31], [sflag:$0x1] =	stream.indirect.gather [hbm4b:s5+s13], $0x1, s23, s13, $0xb8;
	[tilespmem:$0x10800] =	vst v63  }
0xdf: {  	s12 =	simm.s32 $0x8980  }
0xe0: {  	[tilespmem:s12], [sflag:$0x1] =	stream.indirect.gather [hbm4b:s5+s13], $0x1, s28, s13, $0xb8;
	[tilespmem:$0x10800] =	vst v63  }
0xe1: {  	s17 =	simm.s32 $0x8A00  }
0xe2: {  	[tilespmem:s17], [sflag:$0x1] =	stream.indirect.gather [hbm4b:s5+s13], $0x1, s30, s13, $0xb8;
	[tilespmem:$0x10800] =	vst v63  }
0xe3: {  	s21 =	simm.s32 $0x8A80  }
0xe4: {  	[tilespmem:s21], [sflag:$0x1] =	stream.indirect.gather [hbm4b:s5+s13], $0x1, s0, s13, $0xb8;
	[tilespmem:$0x10800] =	vst v63  }
0xe5: {  	s31 =	simm.s32 $0x8B00  }
0xe6: {  	[tilespmem:s31], [sflag:$0x1] =	stream.indirect.gather [hbm4b:s5+s13], $0x1, s8, s13, $0xb8;
	[tilespmem:$0x10800] =	vst v63  }
0xe7: {  	s12 =	simm.s32 $0x8B80;
	s17 =	sadd.s32 $0x186A0, s4  }
0xe8: {  	[tilespmem:s12], [sflag:$0x1] =	stream.indirect.gather [hbm4b:s5+s13], $0x1, s10, s13, $0xb8;
	[tilespmem:$0x10800] =	vst v63  }
0xe9: {  	s5 =	sshrl.u32 s17, $0x3  }
0xea: {  	s21 =	simm.s32 $0x8C00;
	s5 =	sadd.s32 s6, s5  }
0xeb: {  	[tilespmem:s21], [sflag:$0x1] =	stream.indirect.gather [hbm4b:s5+s13], $0x1, s15, s13, $0xb8;
	[tilespmem:$0x10800] =	vst v63  }
0xec: {  	s31 =	simm.s32 $0x8C80  }
0xed: {  	[tilespmem:s31], [sflag:$0x1] =	stream.indirect.gather [hbm4b:s5+s13], $0x1, s19, s13, $0xb8;
	[tilespmem:$0x10800] =	vst v63  }
0xee: {  	s12 =	simm.s32 $0x8D00  }
0xef: {  	[tilespmem:s12], [sflag:$0x1] =	stream.indirect.gather [hbm4b:s5+s13], $0x1, s23, s13, $0xb8;
	[tilespmem:$0x10800] =	vst v63  }
0xf0: {  	s17 =	simm.s32 $0x8D80  }
0xf1: {  	[tilespmem:s17], [sflag:$0x1] =	stream.indirect.gather [hbm4b:s5+s13], $0x1, s28, s13, $0xb8;
	[tilespmem:$0x10800] =	vst v63  }
0xf2: {  	s21 =	simm.s32 $0x8E00  }
0xf3: {  	[tilespmem:s21], [sflag:$0x1] =	stream.indirect.gather [hbm4b:s5+s13], $0x1, s30, s13, $0xb8;
	[tilespmem:$0x10800] =	vst v63  }
0xf4: {  	s31 =	simm.s32 $0x8E80  }
0xf5: {  	[tilespmem:s31], [sflag:$0x1] =	stream.indirect.gather [hbm4b:s5+s13], $0x1, s0, s13, $0xb8;
	[tilespmem:$0x10800] =	vst v63  }
0xf6: {  	s12 =	simm.s32 $0x8F00  }
0xf7: {  	[tilespmem:s12], [sflag:$0x1] =	stream.indirect.gather [hbm4b:s5+s13], $0x1, s8, s13, $0xb8;
	[tilespmem:$0x10800] =	vst v63  }
0xf8: {  	s17 =	simm.s32 $0x8F80;
	s21 =	sadd.s32 $0x30D40, s4  }
0xf9: {  	[tilespmem:s17], [sflag:$0x1] =	stream.indirect.gather [hbm4b:s5+s13], $0x1, s10, s13, $0xb8;
	[tilespmem:$0x10800] =	vst v63  }
0xfa: {  	s5 =	sshrl.u32 s21, $0x3  }
0xfb: {  	s31 =	simm.s32 $0x9000;
	s5 =	sadd.s32 s6, s5  }
0xfc: {  	[tilespmem:s31], [sflag:$0x1] =	stream.indirect.gather [hbm4b:s5+s13], $0x1, s15, s13, $0xb8;
	[tilespmem:$0x10800] =	vst v63  }
0xfd: {  	s12 =	simm.s32 $0x9080  }
0xfe: {  	[tilespmem:s12], [sflag:$0x1] =	stream.indirect.gather [hbm4b:s5+s13], $0x1, s19, s13, $0xb8;
	[tilespmem:$0x10800] =	vst v63  }
0xff: {  	s17 =	simm.s32 $0x9100  }
0x100: {  	[tilespmem:s17], [sflag:$0x1] =	stream.indirect.gather [hbm4b:s5+s13], $0x1, s23, s13, $0xb8;
	[tilespmem:$0x10800] =	vst v63  }
0x101: {  	s21 =	simm.s32 $0x9180  }
0x102: {  	[tilespmem:s21], [sflag:$0x1] =	stream.indirect.gather [hbm4b:s5+s13], $0x1, s28, s13, $0xb8;
	[tilespmem:$0x10800] =	vst v63  }
0x103: {  	s31 =	simm.s32 $0x9200  }
0x104: {  	[tilespmem:s31], [sflag:$0x1] =	stream.indirect.gather [hbm4b:s5+s13], $0x1, s30, s13, $0xb8;
	[tilespmem:$0x10800] =	vst v63  }
0x105: {  	s12 =	simm.s32 $0x9280  }
0x106: {  	[tilespmem:s12], [sflag:$0x1] =	stream.indirect.gather [hbm4b:s5+s13], $0x1, s0, s13, $0xb8;
	[tilespmem:$0x10800] =	vst v63  }
0x107: {  	s4 =	sadd.s32 $0x493E0, s4;
	s17 =	simm.s32 $0x9300  }
0x108: {  	[tilespmem:s17], [sflag:$0x1] =	stream.indirect.gather [hbm4b:s5+s13], $0x1, s8, s13, $0xb8;
	[tilespmem:$0x10800] =	vst v63  }
0x109: {  	s4 =	sshrl.u32 s4, $0x3;
	s21 =	simm.s32 $0x9380  }
0x10a: {  	[tilespmem:s21], [sflag:$0x1] =	stream.indirect.gather [hbm4b:s5+s13], $0x1, s10, s13, $0xb8;
	[tilespmem:$0x10800] =	vst v63  }
0x10b: {  	s4 =	sadd.s32 s6, s4;
	s31 =	simm.s32 $0x9400  }
0x10c: {  	[tilespmem:s31], [sflag:$0x1] =	stream.indirect.gather [hbm4b:s4+s13], $0x1, s15, s13, $0xb8;
	[tilespmem:$0x10800] =	vst v63  }
0x10d: {  	s5 =	simm.s32 $0x9480  }
0x10e: {  	[tilespmem:s5], [sflag:$0x1] =	stream.indirect.gather [hbm4b:s4+s13], $0x1, s19, s13, $0xb8;
	[tilespmem:$0x10800] =	vst v63  }
0x10f: {  	s12 =	simm.s32 $0x9500  }
0x110: {  	[tilespmem:s12], [sflag:$0x1] =	stream.indirect.gather [hbm4b:s4+s13], $0x1, s23, s13, $0xb8;
	[tilespmem:$0x10800] =	vst v63  }
0x111: {  	s17 =	simm.s32 $0x9580;
	s21 =	smulhi.u32 $0x4EC4EC4F, s25  }
0x112: {  	[tilespmem:s17], [sflag:$0x1] =	stream.indirect.gather [hbm4b:s4+s13], $0x1, s28, s13, $0xb8;
	[tilespmem:$0x10800] =	vst v63  }
0x113: {  	s31 =	simm.s32 $0x9600;
	s5 =	sshrl.u32 s21, $0x3  }
0x114: {  	[tilespmem:s31], [sflag:$0x1] =	stream.indirect.gather [hbm4b:s4+s13], $0x1, s30, s13, $0xb8;
	[tilespmem:$0x10800] =	vst v63  }
0x115: {  	s5 =	smul.u32 $0x4F58800, s5;
	s12 =	simm.s32 $0x9680  }
0x116: {  	[tilespmem:s12], [sflag:$0x1] =	stream.indirect.gather [hbm4b:s4+s13], $0x1, s0, s13, $0xb8;
	[tilespmem:$0x10800] =	vst v63  }
0x117: {  	s17 =	simm.s32 $0x9700;
	s12 =	ssub.s32 s29, s5  }
0x118: {  	[tilespmem:s17], [sflag:$0x1] =	stream.indirect.gather [hbm4b:s4+s13], $0x1, s8, s13, $0xb8;
	[tilespmem:$0x10800] =	vst v63  }
0x119: {  	s21 =	simm.s32 $0x9780;
	s31 =	sshrl.u32 s12, $0x3  }
0x11a: {  	[tilespmem:s21], [sflag:$0x1] =	stream.indirect.gather [hbm4b:s4+s13], $0x1, s10, s13, $0xb8;
	[tilespmem:$0x10800] =	vst v63  }
0x11b: {  	s2 =	simm.s32 $0x9800;
	s4 =	sadd.s32 s6, s31  }
0x11c: {  	[tilespmem:s2], [sflag:$0x1] =	stream.indirect.gather [hbm4b:s4+s13], $0x1, s15, s13, $0xb8;
	[tilespmem:$0x10800] =	vst v63  }
0x11d: {  	s17 =	simm.s32 $0x9880  }
0x11e: {  	[tilespmem:s17], [sflag:$0x1] =	stream.indirect.gather [hbm4b:s4+s13], $0x1, s19, s13, $0xb8;
	[tilespmem:$0x10800] =	vst v63  }
0x11f: {  	s21 =	simm.s32 $0x9900  }
0x120: {  	[tilespmem:s21], [sflag:$0x1] =	stream.indirect.gather [hbm4b:s4+s13], $0x1, s23, s13, $0xb8;
	[tilespmem:$0x10800] =	vst v63  }
0x121: {  	s31 =	simm.s32 $0x9980  }
0x122: {  	[tilespmem:s31], [sflag:$0x1] =	stream.indirect.gather [hbm4b:s4+s13], $0x1, s28, s13, $0xb8;
	[tilespmem:$0x10800] =	vst v63  }
0x123: {  	s2 =	simm.s32 $0x9A00  }
0x124: {  	[tilespmem:s2], [sflag:$0x1] =	stream.indirect.gather [hbm4b:s4+s13], $0x1, s30, s13, $0xb8;
	[tilespmem:$0x10800] =	vst v63  }
0x125: {  	s17 =	simm.s32 $0x9A80  }
0x126: {  	[tilespmem:s17], [sflag:$0x1] =	stream.indirect.gather [hbm4b:s4+s13], $0x1, s0, s13, $0xb8;
	[tilespmem:$0x10800] =	vst v63  }
0x127: {  	s21 =	simm.s32 $0x9B00  }
0x128: {  	[tilespmem:s21], [sflag:$0x1] =	stream.indirect.gather [hbm4b:s4+s13], $0x1, s8, s13, $0xb8;
	[tilespmem:$0x10800] =	vst v63  }
0x129: {  	s31 =	simm.s32 $0x9B80  }
0x12a: {  	[tilespmem:s31], [sflag:$0x1] =	stream.indirect.gather [hbm4b:s4+s13], $0x1, s10, s13, $0xb8;
	[tilespmem:$0x10800] =	vst v63  }
0x12b: {  	s5 =	simm.s32 $0x2000;
	_ =	swait.ge [sflag:s11], $0x400  }
0x12c: {  	s17 =	simm.s32 $0x1000;
	s4 =	sadd.s32 $0x186A0, s12;
	[sflag:s11] =	ssyncset.done $0x0  }
.LBB2_8:
0x12d: {  	s12 =	sshra.s32 s17, $0x2  }
0x12e: {  	s21 =	sshrl.u32 s4, $0x3;
	[sflag:s11] =	ssyncadd.s32 $0xFFFFFC00;
	s17 =	smov.u32 s5  }
0x12f: {  	s31 =	sadd.s32 $0x1000, s5;
	s2 =	sadd.s32 $0x9800, s12;
	s21 =	sadd.s32 s6, s21  }
0x130: {  	[tilespmem:s2], [sflag:$0x1] =	stream.indirect.gather [hbm4b:s21+s13], $0x1, s15, s13, $0xb8;
	[tilespmem:$0x10800] =	vst v63  }
0x131: {  	p0 =	sne.s32 s5, $0x1B000;
	s2 =	sadd.s32 $0x9880, s12  }
0x132: {  	[tilespmem:s2], [sflag:$0x1] =	stream.indirect.gather [hbm4b:s21+s13], $0x1, s19, s13, $0xb8;
	[tilespmem:$0x10800] =	vst v63  }
0x133: {  	s2 =	sadd.s32 $0x9900, s12  }
0x134: {  	[tilespmem:s2], [sflag:$0x1] =	stream.indirect.gather [hbm4b:s21+s13], $0x1, s23, s13, $0xb8;
	[tilespmem:$0x10800] =	vst v63  }
0x135: {  	s2 =	sadd.s32 $0x9980, s12  }
0x136: {  	[tilespmem:s2], [sflag:$0x1] =	stream.indirect.gather [hbm4b:s21+s13], $0x1, s28, s13, $0xb8;
	[tilespmem:$0x10800] =	vst v63  }
0x137: {  	s2 =	sadd.s32 $0x9A00, s12  }
0x138: {  	[tilespmem:s2], [sflag:$0x1] =	stream.indirect.gather [hbm4b:s21+s13], $0x1, s30, s13, $0xb8;
	[tilespmem:$0x10800] =	vst v63  }
0x139: {  	s2 =	sadd.s32 $0x9A80, s12  }
0x13a: {  	[tilespmem:s2], [sflag:$0x1] =	stream.indirect.gather [hbm4b:s21+s13], $0x1, s0, s13, $0xb8;
	[tilespmem:$0x10800] =	vst v63  }
0x13b: {  	s2 =	sadd.s32 $0x9B00, s12  }
0x13c: {  	[tilespmem:s2], [sflag:$0x1] =	stream.indirect.gather [hbm4b:s21+s13], $0x1, s8, s13, $0xb8;
	[tilespmem:$0x10800] =	vst v63  }
.Ltmp7:
0x13d: {  	_ = 	snop;
	(pc) =	sbr.rel @p0 .LBB2_8-.Ltmp7, $4  }
0x13e: {  	s2 =	sadd.s32 $0x9B80, s12  }
0x13f: {  	[tilespmem:s2], [sflag:$0x1] =	stream.indirect.gather [hbm4b:s21+s13], $0x1, s10, s13, $0xb8;
	[tilespmem:$0x10800] =	vst v63  }
0x140: {  	_ =	swait.ge [sflag:s11], $0x400  }
0x141: {  	s4 =	sadd.s32 $0x186A0, s4;
	s5 =	smov.u32 s31;
	[sflag:s11] =	ssyncset.done $0x0  }
0x142: {  	s2 =	sshra.s32 s17, $0x2;
	s4 =	sshrl.u32 s4, $0x3  }
0x143: {  	[sflag:s11] =	ssyncadd.s32 $0xFFFFFC00;
	s5 =	sadd.s32 $0x9800, s2;
	s4 =	sadd.s32 s6, s4  }
0x144: {  	[tilespmem:s5], [sflag:$0x1] =	stream.indirect.gather [hbm4b:s4+s13], $0x1, s15, s13, $0xb8;
	[tilespmem:$0x10800] =	vst v63  }
0x145: {  	s21 =	sadd.s32 $0x9880, s2  }
0x146: {  	[tilespmem:s21], [sflag:$0x1] =	stream.indirect.gather [hbm4b:s4+s13], $0x1, s19, s13, $0xb8;
	[tilespmem:$0x10800] =	vst v63  }
0x147: {  	s31 =	sadd.s32 $0x9900, s2  }
0x148: {  	[tilespmem:s31], [sflag:$0x1] =	stream.indirect.gather [hbm4b:s4+s13], $0x1, s23, s13, $0xb8;
	[tilespmem:$0x10800] =	vst v63  }
0x149: {  	s12 =	sadd.s32 $0x9980, s2  }
0x14a: {  	[tilespmem:s12], [sflag:$0x1] =	stream.indirect.gather [hbm4b:s4+s13], $0x1, s28, s13, $0xb8;
	[tilespmem:$0x10800] =	vst v63  }
0x14b: {  	s17 =	sadd.s32 $0x9A00, s2  }
0x14c: {  	[tilespmem:s17], [sflag:$0x1] =	stream.indirect.gather [hbm4b:s4+s13], $0x1, s30, s13, $0xb8;
	[tilespmem:$0x10800] =	vst v63  }
0x14d: {  	s21 =	sadd.s32 $0x9A80, s2  }
0x14e: {  	[tilespmem:s21], [sflag:$0x1] =	stream.indirect.gather [hbm4b:s4+s13], $0x1, s0, s13, $0xb8;
	[tilespmem:$0x10800] =	vst v63  }
0x14f: {  	s31 =	sadd.s32 $0x9B00, s2  }
0x150: {  	[tilespmem:s31], [sflag:$0x1] =	stream.indirect.gather [hbm4b:s4+s13], $0x1, s8, s13, $0xb8;
	[tilespmem:$0x10800] =	vst v63  }
0x151: {  	s2 =	sadd.s32 $0x9B80, s2  }
0x152: {  	[tilespmem:s2], [sflag:$0x1] =	stream.indirect.gather [hbm4b:s4+s13], $0x1, s10, s13, $0xb8;
	[tilespmem:$0x10800] =	vst v63  }
0x153: {  	_ =	swait.ge [sflag:s11], $0x400  }
0x154: {  	[sflag:s11] =	ssyncset.done $0x0  }
0x155: {  	[sflag:s11] =	ssyncadd.s32 $0xFFFFFC00  }
0x156: {  	_ =	swait.ge [sflag:s11], $0x400  }
0x157: {  	[sflag:s11] =	ssyncset.done $0x0  }
0x158: {  	[sflag:s11] =	ssyncadd.s32 $0xFFFFFC00  }
0x159: {  	_ =	swait.ge [sflag:s11], $0x400  }
0x15a: {  	[sflag:s11] =	ssyncset.done $0x0  }
0x15b: {  	[sflag:s11] =	ssyncadd.s32 $0xFFFFFC00  }
0x15c: {  	_ =	swait.ge [sflag:s11], $0x400  }
0x15d: {  	[sflag:s11] =	ssyncset.done $0x0  }
0x15e: {  	s12 =	rddreg [dreg:$0xd];
	[sflag:s11] =	ssyncadd.s32 $0xFFFFFC00  }
0x15f: {  	s2 =	smul.u32 $0xD0000, s12;
	_ =	swait.ge [sflag:s11], $0x400  }
.Ltmp8:
0x160: {  	s17 =	sshll.u32 s14, $0xF;
	[sflag:s11] =	ssyncset.done $0x0;
	(pc) =	sbr.rel .LBB2_10-.Ltmp8, $4  }
0x161: {  	s2 =	sadd.s32 s2, s17;
	[sflag:s11] =	ssyncadd.s32 $0xFFFFFC00  }
0x162: {  	s2 =	sshrl.u32 s2, $0x3;
	s21 =	rddreg [dreg:$0x1]  }
0x163: {  	s31 =	simm.s32 $0x8800;
	s2 =	sadd.s32 s21, s2  }
0x164: {  	[hbm4b:s2+s3] =	stream.linear.scatter [tilespmem:s31], [sflag:$0x2], $0x8000, $0x38;
	[tilespmem:$0x10800] =	vst v63  }
.LBB2_12:
0x165: {  	_ =	sfence.sel $0x180000  }
0x166: {  	[bflag:$0x0] =	sbarrier.arrive $0xFFFF  }
0x167: {  	_ =	strace $0x90000047  }
0x168: {  	s0 =	stileid.u32;
	[bflag:$0x2] =	sbarrier.arrive $0xFFFF  }
0x169: {  	p0 =	sne.s32 s0, $0x0;
	s0 =	rddreg [dreg:$0x2]  }
0x16a: {  	s0 =	sadd.s32 @!p0 $0x100000, s0  }
0x16b: {  	[sflag:s0] =	ssyncadd.tile.s32 @!p0 $0x1;
	_ =	shalt  }
.Lfunc_end2:
_tile_overlayer_lowered:
.L_overlay_start_2:
0x16c: {  	(tag) =	ssettag $0x2  }
0x16d: {  	s0 =	rddreg [dreg:$0x0];
	s2 =	stileid.u32  }
0x16e: {  	s1 =	rddreg [dreg:$0x1];
	p0 =	sne.s32 s2, $0x0  }
0x16f: {  	s3 =	rddreg [dreg:$0x2];
	[bflag:$0x3] =	sbarrier.arrive $0xFFFF;
	s2 =	simm.s32 @!p0 $0x1C03  }
0x170: {  	[timem:s3], [sflag:s2] =	dma.local @!p0 [hbm:s0], s1  }
0x171: {  	s0 =	simm.s32 @!p0 $0x3  }
0x172: {  	_ =	swait.ge @!p0 [sflag:s0], s1  }
0x173: {  	s1 =	ssub.s32 @!p0 $0x0, s1;
	[sflag:s0] =	ssyncset.done @!p0 $0x0  }
0x174: {  	[sflag:s0] =	ssyncadd.s32 @!p0 s1  }
0x175: {  	[bflag:$0x3] =	sbarrier.arrive $0xFFFF  }
0x176: {  	_ =	shalt  }

</sc_bundles>
